<compile_context>
chip_gen: v7x
topology: tpu7x:2x2x1
jax: 0.10.2.dev20260603
libtpu: 0.0.44.dev20260713+nightly
codegen_flags: <defaults>
</compile_context>

<pallas_src>
import functools

import numpy as np
import jax
import jax.numpy as jnp
from jax import lax
from jax.experimental import pallas as pl
from jax.experimental.pallas import tpu as pltpu
from jax.experimental.pallas import tpu_sc as plsc

_VOCAB = 100000
_WVEC = 300
_HID = 768
_MAXV = 100
_MAXT = 25
_B = 1024
_L = _MAXV + _MAXT
_N = _B * _L
_EPS = 1e-12

_NC = 2
_NS = 16
_NW = _NC * _NS
_PER_W = _N // _NW
_CH = 80
_NCH = _PER_W // _CH
_WP = 384


def _pos_encoding():
    pos = np.arange(_L, dtype=np.float32)[:, None]
    div = np.exp(np.arange(0, _HID, 2, dtype=np.float32)
                 * np.float32(-np.log(10000.0) / _HID)).astype(np.float32)
    pe = np.zeros((_L, _HID), np.float32)
    pe[:, 0::2] = np.sin(pos * div)
    pe[:, 1::2] = np.cos(pos * div)
    return pe.reshape(_L, 1, _HID)


_POS = _pos_encoding()

_PAD_ROWS = 4000


def _pad_body(src_ref, dst_ref):
    dst_ref[:, : _WVEC] = src_ref[...]
    dst_ref[:, _WVEC:] = jnp.zeros((_PAD_ROWS, _WP - _WVEC), jnp.float32)


def _pad_table(table):
    return pl.pallas_call(
        _pad_body,
        grid=(_VOCAB // _PAD_ROWS,),
        in_specs=[pl.BlockSpec((_PAD_ROWS, _WVEC), lambda i: (i, 0))],
        out_specs=pl.BlockSpec((_PAD_ROWS, _WP), lambda i: (i, 0)),
        out_shape=jax.ShapeDtypeStruct((_VOCAB, _WP), jnp.float32),
    )(table)


def _sc_gather(idx_flat, table):
    mesh = plsc.VectorSubcoreMesh(core_axis_name="c", subcore_axis_name="s")

    @functools.partial(
        pl.kernel,
        mesh=mesh,
        out_type=jax.ShapeDtypeStruct((_N, _WP), jnp.float32),
        scratch_types=[
            pltpu.VMEM((_PER_W,), jnp.int32),
            pltpu.VMEM((_CH, _WP), jnp.float32),
            pltpu.VMEM((_CH, _WP), jnp.float32),
            pltpu.SemaphoreType.DMA,
            pltpu.SemaphoreType.DMA,
        ],
    )
    def k(idx_hbm, table_hbm, out_hbm, idx_v, rows0, rows1, sem0, sem1):
        wid = lax.axis_index("s") * _NC + lax.axis_index("c")
        base = wid * _PER_W
        pltpu.sync_copy(idx_hbm.at[pl.ds(base, _PER_W)], idx_v)
        bufs = (rows0, rows1)
        sems = (sem0, sem1)

        def idx_at(j):
            return idx_v.at[pl.ds(pl.multiple_of(j * _CH, _CH), _CH)]

        pltpu.async_copy(table_hbm.at[idx_at(0)], bufs[0], sems[0])

        def body(i, carry):
            for b2 in range(2):
                j = i * 2 + b2

                @pl.when(j + 1 < _NCH)
                def _():
                    pltpu.async_copy(table_hbm.at[idx_at(j + 1)],
                                     bufs[1 - b2], sems[1 - b2])

                pltpu.make_async_copy(table_hbm.at[idx_at(j)], bufs[b2],
                                      sems[b2]).wait()
                row = pl.multiple_of(base + j * _CH, _CH)
                pltpu.sync_copy(bufs[b2], out_hbm.at[pl.ds(row, _CH)])
            return carry

        lax.fori_loop(0, _NCH // 2, body, 0)

    return k(idx_flat, table)


def _tc_body(we_ref, tti_ref, vid_hbm, W_ref, tt_ref, pos_ref, out_hbm,
             vid_buf, out_buf, vsem, osem):
    l = pl.program_id(0)
    sl = lax.rem(l, 2)
    nsl = lax.rem(l + 1, 2)

    @pl.when(l == 0)
    def _():
        pltpu.make_async_copy(vid_hbm.at[:, 0, :], vid_buf.at[0],
                              vsem.at[0]).start()

    @pl.when(l + 1 < _MAXV)
    def _():
        pltpu.make_async_copy(vid_hbm.at[:, l + 1, :], vid_buf.at[nsl],
                              vsem.at[nsl]).start()

    @pl.when(l < _MAXV)
    def _():
        pltpu.make_async_copy(vid_hbm.at[:, l, :], vid_buf.at[sl],
                              vsem.at[sl]).wait()

    x = we_ref[0][:, :_WVEC]
    c300 = jnp.full((_WVEC, 1), 1.0 / _WVEC, jnp.float32)
    u = jnp.dot(x, c300, preferred_element_type=jnp.float32)
    xc = x - u
    s = jnp.dot(xc * xc, c300, preferred_element_type=jnp.float32)
    xn = xc * lax.rsqrt(s + _EPS)
    h = jnp.maximum(
        jnp.dot(xn, W_ref[...], preferred_element_type=jnp.float32), 0.0)
    c768 = jnp.full((_HID, 1), 1.0 / _HID, jnp.float32)
    m1 = jnp.dot(h, c768, preferred_element_type=jnp.float32)
    m2 = jnp.dot(h * h, c768, preferred_element_type=jnp.float32)
    r2 = lax.rsqrt(m2 - m1 * m1 + _EPS)
    mf = (tti_ref[0, 0] != 0).astype(jnp.float32)[:, None]
    d = tt_ref[1] - tt_ref[0]
    base = pos_ref[0] + tt_ref[0]
    vmask = jnp.where(l < _MAXV, 1.0, 0.0)
    emb = (h * r2 + (base - m1 * r2)) + (mf * d + vid_buf[sl] * vmask)
    m1e = jnp.dot(emb, c768, preferred_element_type=jnp.float32)
    m2e = jnp.dot(emb * emb, c768, preferred_element_type=jnp.float32)
    r3 = lax.rsqrt(m2e - m1e * m1e + _EPS)

    @pl.when(l >= 2)
    def _():
        pltpu.make_async_copy(out_buf.at[sl], out_hbm.at[:, l - 2, :],
                              osem.at[sl]).wait()

    out_buf[sl] = emb * r3 - m1e * r3
    pltpu.make_async_copy(out_buf.at[sl], out_hbm.at[:, l, :],
                          osem.at[sl]).start()

    @pl.when(l == _L - 1)
    def _():
        pltpu.make_async_copy(out_buf.at[1 - sl], out_hbm.at[:, l - 1, :],
                              osem.at[1 - sl]).wait()
        pltpu.make_async_copy(out_buf.at[sl], out_hbm.at[:, l, :],
                              osem.at[sl]).wait()


_TC_GRID = (_L,)
_TC_IN_SPECS = [
    pl.BlockSpec((1, _B, _WP), lambda l: (l, 0, 0)),
    pl.BlockSpec((1, 1, _B), lambda l: (l, 0, 0)),
    pl.BlockSpec(memory_space=pltpu.MemorySpace.HBM),
    pl.BlockSpec((_WVEC, _HID), lambda l: (0, 0)),
    pl.BlockSpec((2, _HID), lambda l: (0, 0)),
    pl.BlockSpec((1, 1, _HID), lambda l: (l, 0, 0)),
]
_TC_OUT_SPEC = pl.BlockSpec(memory_space=pltpu.MemorySpace.HBM)
_TC_OUT_SHAPE = jax.ShapeDtypeStruct((_B, _L, _HID), jnp.float32)


def _tc_fused(*args):
    return pl.pallas_call(
        _tc_body,
        grid=_TC_GRID,
        in_specs=_TC_IN_SPECS,
        out_specs=_TC_OUT_SPEC,
        out_shape=_TC_OUT_SHAPE,
        scratch_shapes=[
            pltpu.VMEM((2, _B, _HID), jnp.float32),
            pltpu.VMEM((2, _B, _HID), jnp.float32),
            pltpu.SemaphoreType.DMA((2,)),
            pltpu.SemaphoreType.DMA((2,)),
        ],
    )(*args)


def kernel(input_ids, token_type_ids, video_embeddings, word_table,
           ln1_g, ln1_b, W, b, ln2_g, ln2_b, tt_table, ln3_g, ln3_b):
    idx_t = input_ids.astype(jnp.int32).T.reshape(-1)
    table_p = _pad_table(word_table)
    we = _sc_gather(idx_t, table_p)
    we3 = we.reshape(_L, _B, _WP)
    tti3 = token_type_ids.astype(jnp.int32).T.reshape(_L, 1, _B)
    return _tc_fused(we3, tti3, video_embeddings, W, tt_table, _POS)

# --- scband reference (transcript-rebuilt; emitter-appended) ---
"""Pipeline reference for scband-bert-embeddings-with-video-65773129170972 (READ-ONLY COPY).

The authoritative reference and input builder live on the scoring server;
editing this copy changes nothing except your own understanding.
"""

import jax, jax.numpy as jnp
import numpy as np

VOCAB = 100000
WVEC = 300
HID = 768
MAXV = 100
MAXT = 25
B = 1024
L = MAXV + MAXT
EPS = 1e-12


def layer_norm(x, g, b, eps=EPS):
    u = jnp.mean(x, axis=-1, keepdims=True)
    s = jnp.mean((x - u) ** 2, axis=-1, keepdims=True)
    return g * (x - u) / jnp.sqrt(s + eps) + b


def position_encoding(length, d):
    pos = jnp.arange(length, dtype=jnp.float32)[:, None]
    div = jnp.exp(jnp.arange(0, d, 2, dtype=jnp.float32) * (-np.log(10000.0) / d))
    pe = jnp.zeros((length, d), jnp.float32)
    pe = pe.at[:, 0::2].set(jnp.sin(pos * div))
    pe = pe.at[:, 1::2].set(jnp.cos(pos * div))
    return pe


def setup_inputs(seed: int = 0):
    key = jax.random.key(seed)
    ks = jax.random.split(key, 8)
    input_ids = jax.random.randint(ks[0], (B, L), 0, VOCAB)
    token_type_ids = jax.random.randint(ks[1], (B, L), 0, 2)
    video_embeddings = jax.random.normal(ks[2], (B, MAXV, HID), dtype=jnp.float32)
    word_table = jax.random.normal(ks[3], (VOCAB, WVEC), dtype=jnp.float32) * 0.02
    word_table = word_table.at[0].set(0.0)  # padding_idx=0
    W = jax.random.normal(ks[4], (WVEC, HID), dtype=jnp.float32) * 0.02
    b = jnp.zeros((HID,), jnp.float32)
    tt_table = jax.random.normal(ks[5], (2, HID), dtype=jnp.float32) * 0.02
    return {
        'input_ids': input_ids,
        'token_type_ids': token_type_ids,
        'video_embeddings': video_embeddings,
        'word_table': word_table,
        'ln1_g': jnp.ones((WVEC,), jnp.float32),
        'ln1_b': jnp.zeros((WVEC,), jnp.float32),
        'W': W,
        'b': b,
        'ln2_g': jnp.ones((HID,), jnp.float32),
        'ln2_b': jnp.zeros((HID,), jnp.float32),
        'tt_table': tt_table,
        'ln3_g': jnp.ones((HID,), jnp.float32),
        'ln3_b': jnp.zeros((HID,), jnp.float32),
    }


def reference(input_ids, token_type_ids, video_embeddings, word_table,
              ln1_g, ln1_b, W, b, ln2_g, ln2_b, tt_table, ln3_g, ln3_b):
    # TextEmbedding: embedding lookup -> LN -> (dropout=eval identity) -> Linear -> ReLU -> LN
    we = jnp.take(word_table, input_ids, axis=0)
    h = layer_norm(we, ln1_g, ln1_b)
    h = jnp.maximum(jnp.dot(h, W) + b, 0.0)
    words = layer_norm(h, ln2_g, ln2_b)
    # video path (query_clip == -1)
    Bv, Lv, Dv = video_embeddings.shape
    ve = video_embeddings.reshape(Bv, -1, MAXV, Dv).transpose(1, 0, 2, 3).reshape(-1, MAXV, Dv)
    vid = jnp.zeros((ve.shape[0], MAXV + MAXT, Dv), ve.dtype).at[:, :MAXV].set(ve)
    # token type embedding lookup
    tt = jnp.take(tt_table, token_type_ids, axis=0)
    emb = words + vid + tt
    emb = emb + position_encoding(MAXV + MAXT, Dv)[None]
    emb = layer_norm(emb, ln3_g, ln3_b)
    # dropout is identity in eval mode
    return emb

if __name__ == "__main__":
    import jax
    _d = setup_inputs()
    print(jax.jit(kernel)(*tuple(_d.values())))

</pallas_src>

<mosaic_0001>
#map = affine_map<(d0, d1) -> (0)>
#map1 = affine_map<(d0, d1) -> (0, 0)>
module attributes {stable_mosaic.version = 14 : i64} {
  func.func @k(%arg0: i32, %arg1: i32, %arg2: memref<128000xi32, #tpu.memory_space<hbm>>, %arg3: memref<100000x384xf32, #tpu.memory_space<hbm>>, %arg4: memref<128000x384xf32, #tpu.memory_space<hbm>>, %arg5: memref<4000xi32, #tpu.memory_space<vmem>>, %arg6: memref<80x384xf32, #tpu.memory_space<vmem>>, %arg7: memref<80x384xf32, #tpu.memory_space<vmem>>, %arg8: memref<!tpu.dma_semaphore, #tpu.memory_space<semaphore_mem>>, %arg9: memref<!tpu.dma_semaphore, #tpu.memory_space<semaphore_mem>>) attributes {dimension_semantics = [#tpu.dimension_semantics<core_parallel>, #tpu.dimension_semantics<subcore_parallel>], iteration_bounds = array<i64: 2, 16>, scalar_prefetch = 0 : i64, scratch_operands = 5 : i64, tpu.core_type = #tpu.core_type<sc_vector_subcore>, window_params = [{transform_indices = #map}, {transform_indices = #map1}, {transform_indices = #map1}]} {
    %mul3A = arith.constant 2 : i32
    %mul3A_0 = arith.muli %arg1, %mul3A : i32
    %add3A = arith.addi %mul3A_0, %arg0 : i32
    %mul3A_1 = arith.constant 4000 : i32
    %mul3A_2 = arith.muli %add3A, %mul3A_1 : i32
    "tpu.region"() ({
      %run_scoped3A = tpu.sem_alloc : memref<!tpu.dma_semaphore, #tpu.memory_space<semaphore_mem>>
      %dma_start3A_12 = tpu.memref_slice %arg2[%mul3A_2] : memref<128000xi32, #tpu.memory_space<hbm>> -> memref<4000xi32, #tpu.memory_space<hbm>>
      %dma_start3A_13 = tpu.memref_slice %arg2[%mul3A_2] : memref<128000xi32, #tpu.memory_space<hbm>> -> memref<4000xi32, #tpu.memory_space<hbm>>
      tpu.enqueue_dma source(%dma_start3A_13 : memref<4000xi32, #tpu.memory_space<hbm>>) target(%arg5 : memref<4000xi32, #tpu.memory_space<vmem>>) target_semaphore(%run_scoped3A : memref<!tpu.dma_semaphore, #tpu.memory_space<semaphore_mem>>)
      %dma_wait3A = tpu.memref_slice %arg2[%mul3A_2] : memref<128000xi32, #tpu.memory_space<hbm>> -> memref<4000xi32, #tpu.memory_space<hbm>>
      %dma_wait3A_14 = tpu.memref_slice %arg2[%mul3A_2] : memref<128000xi32, #tpu.memory_space<hbm>> -> memref<4000xi32, #tpu.memory_space<hbm>>
      tpu.wait_dma2 semaphore(%run_scoped3A : memref<!tpu.dma_semaphore, #tpu.memory_space<semaphore_mem>>) src(%dma_wait3A_14 : memref<4000xi32, #tpu.memory_space<hbm>>) dst(%arg5 : memref<4000xi32, #tpu.memory_space<vmem>>)
      tpu.yield
    }) : () -> ()
    %multiple_of3A = arith.constant 0 : i32
    %multiple_of3A_3 = tpu.assume_multiple %multiple_of3A, 80 : i32
    %dma_start3A = tpu.memref_slice %arg5[%multiple_of3A_3] : memref<4000xi32, #tpu.memory_space<vmem>> -> memref<80xi32, #tpu.memory_space<vmem>>
    %dma_start3A_4 = arith.constant 0 : i32
    %dma_start3A_5 = arith.constant 0 : i32
    %dma_start3A_6 = tpu.memref_slice %arg3[%dma_start3A_4, %dma_start3A_5] : memref<100000x384xf32, #tpu.memory_space<hbm>> -> memref<100000x384xf32, #tpu.memory_space<hbm>>
    tpu.enqueue_indirect_dma source(%dma_start3A_6 : memref<100000x384xf32, #tpu.memory_space<hbm>>) target(%arg6 : memref<80x384xf32, #tpu.memory_space<vmem>>) offsets(%dma_start3A : memref<80xi32, #tpu.memory_space<vmem>>) semaphore(%arg8 : memref<!tpu.dma_semaphore, #tpu.memory_space<semaphore_mem>>)
    %scan3A = arith.constant 0 : i32
    %scan3A_7 = arith.constant 0 : i32
    %scan3A_8 = arith.constant 25 : i32
    %scan3A_9 = arith.addi %scan3A_7, %scan3A_8 : i32
    %scan3A_10 = arith.constant 1 : i32
    scf.for %scan3A_12 = %scan3A_7 to %scan3A_9 step %scan3A_10  : i32 {
      %mul3A_13 = arith.constant 2 : i32
      %mul3A_14 = arith.muli %scan3A_12, %mul3A_13 : i32
      %add3A_15 = arith.constant 0 : i32
      %add3A_16 = arith.addi %mul3A_14, %add3A_15 : i32
      %add3A_17 = arith.constant 1 : i32
      %add3A_18 = arith.addi %add3A_16, %add3A_17 : i32
      %lt3A = arith.constant 50 : i32
      %lt3A_19 = arith.cmpi slt, %add3A_18, %lt3A : i32
      %convert_element_type3A = arith.extui %lt3A_19 : i1 to i32
      %cond3A = arith.constant 0 : i32
      %cond3A_20 = arith.cmpi ne, %convert_element_type3A, %cond3A : i32
      scf.if %cond3A_20 {
        %add3A_53 = arith.constant 1 : i32
        %add3A_54 = arith.addi %add3A_16, %add3A_53 : i32
        %mul3A_55 = arith.constant 80 : i32
        %mul3A_56 = arith.muli %add3A_54, %mul3A_55 : i32
        %multiple_of3A_57 = tpu.assume_multiple %mul3A_56, 80 : i32
        %dma_start3A_58 = tpu.memref_slice %arg5[%multiple_of3A_57] : memref<4000xi32, #tpu.memory_space<vmem>> -> memref<80xi32, #tpu.memory_space<vmem>>
        %dma_start3A_59 = arith.constant 0 : i32
        %dma_start3A_60 = arith.constant 0 : i32
        %dma_start3A_61 = tpu.memref_slice %arg3[%dma_start3A_59, %dma_start3A_60] : memref<100000x384xf32, #tpu.memory_space<hbm>> -> memref<100000x384xf32, #tpu.memory_space<hbm>>
        tpu.enqueue_indirect_dma source(%dma_start3A_61 : memref<100000x384xf32, #tpu.memory_space<hbm>>) target(%arg7 : memref<80x384xf32, #tpu.memory_space<vmem>>) offsets(%dma_start3A_58 : memref<80xi32, #tpu.memory_space<vmem>>) semaphore(%arg9 : memref<!tpu.dma_semaphore, #tpu.memory_space<semaphore_mem>>)
      } else {
      }
      %mul3A_21 = arith.constant 80 : i32
      %mul3A_22 = arith.muli %add3A_16, %mul3A_21 : i32
      %multiple_of3A_23 = tpu.assume_multiple %mul3A_22, 80 : i32
      %dma_wait3A = tpu.memref_slice %arg5[%multiple_of3A_23] : memref<4000xi32, #tpu.memory_space<vmem>> -> memref<80xi32, #tpu.memory_space<vmem>>
      %dma_wait3A_24 = arith.constant 0 : i32
      %dma_wait3A_25 = arith.constant 0 : i32
      %dma_wait3A_26 = tpu.memref_slice %arg3[%dma_wait3A_24, %dma_wait3A_25] : memref<100000x384xf32, #tpu.memory_space<hbm>> -> memref<100000x384xf32, #tpu.memory_space<hbm>>
      tpu.wait_indirect_dma semaphore(%arg8 : memref<!tpu.dma_semaphore, #tpu.memory_space<semaphore_mem>>) src(%dma_wait3A_26 : memref<100000x384xf32, #tpu.memory_space<hbm>>) dst(%arg6 : memref<80x384xf32, #tpu.memory_space<vmem>>)
      %mul3A_27 = arith.constant 80 : i32
      %mul3A_28 = arith.muli %add3A_16, %mul3A_27 : i32
      %add3A_29 = arith.addi %mul3A_2, %mul3A_28 : i32
      %multiple_of3A_30 = tpu.assume_multiple %add3A_29, 80 : i32
      "tpu.region"() ({
        %run_scoped3A = tpu.sem_alloc : memref<!tpu.dma_semaphore, #tpu.memory_space<semaphore_mem>>
        %dma_start3A_53 = arith.constant 0 : i32
        %dma_start3A_54 = tpu.memref_slice %arg4[%multiple_of3A_30, %dma_start3A_53] : memref<128000x384xf32, #tpu.memory_space<hbm>> -> memref<80x384xf32, #tpu.memory_space<hbm>>
        %dma_start3A_55 = arith.constant 0 : i32
        %dma_start3A_56 = tpu.memref_slice %arg4[%multiple_of3A_30, %dma_start3A_55] : memref<128000x384xf32, #tpu.memory_space<hbm>> -> memref<80x384xf32, #tpu.memory_space<hbm>>
        tpu.enqueue_dma source(%arg6 : memref<80x384xf32, #tpu.memory_space<vmem>>) target(%dma_start3A_56 : memref<80x384xf32, #tpu.memory_space<hbm>>) target_semaphore(%run_scoped3A : memref<!tpu.dma_semaphore, #tpu.memory_space<semaphore_mem>>)
        %dma_wait3A_57 = arith.constant 0 : i32
        %dma_wait3A_58 = tpu.memref_slice %arg4[%multiple_of3A_30, %dma_wait3A_57] : memref<128000x384xf32, #tpu.memory_space<hbm>> -> memref<80x384xf32, #tpu.memory_space<hbm>>
        %dma_wait3A_59 = arith.constant 0 : i32
        %dma_wait3A_60 = tpu.memref_slice %arg4[%multiple_of3A_30, %dma_wait3A_59] : memref<128000x384xf32, #tpu.memory_space<hbm>> -> memref<80x384xf32, #tpu.memory_space<hbm>>
        tpu.wait_dma2 semaphore(%run_scoped3A : memref<!tpu.dma_semaphore, #tpu.memory_space<semaphore_mem>>) src(%arg6 : memref<80x384xf32, #tpu.memory_space<vmem>>) dst(%dma_wait3A_60 : memref<80x384xf32, #tpu.memory_space<hbm>>)
        tpu.yield
      }) : () -> ()
      %mul3A_31 = arith.constant 2 : i32
      %mul3A_32 = arith.muli %scan3A_12, %mul3A_31 : i32
      %add3A_33 = arith.constant 1 : i32
      %add3A_34 = arith.addi %mul3A_32, %add3A_33 : i32
      %add3A_35 = arith.constant 1 : i32
      %add3A_36 = arith.addi %add3A_34, %add3A_35 : i32
      %lt3A_37 = arith.constant 50 : i32
      %lt3A_38 = arith.cmpi slt, %add3A_36, %lt3A_37 : i32
      %convert_element_type3A_39 = arith.extui %lt3A_38 : i1 to i32
      %cond3A_40 = arith.constant 0 : i32
      %cond3A_41 = arith.cmpi ne, %convert_element_type3A_39, %cond3A_40 : i32
      scf.if %cond3A_41 {
        %add3A_53 = arith.constant 1 : i32
        %add3A_54 = arith.addi %add3A_34, %add3A_53 : i32
        %mul3A_55 = arith.constant 80 : i32
        %mul3A_56 = arith.muli %add3A_54, %mul3A_55 : i32
        %multiple_of3A_57 = tpu.assume_multiple %mul3A_56, 80 : i32
        %dma_start3A_58 = tpu.memref_slice %arg5[%multiple_of3A_57] : memref<4000xi32, #tpu.memory_space<vmem>> -> memref<80xi32, #tpu.memory_space<vmem>>
        %dma_start3A_59 = arith.constant 0 : i32
        %dma_start3A_60 = arith.constant 0 : i32
        %dma_start3A_61 = tpu.memref_slice %arg3[%dma_start3A_59, %dma_start3A_60] : memref<100000x384xf32, #tpu.memory_space<hbm>> -> memref<100000x384xf32, #tpu.memory_space<hbm>>
        tpu.enqueue_indirect_dma source(%dma_start3A_61 : memref<100000x384xf32, #tpu.memory_space<hbm>>) target(%arg6 : memref<80x384xf32, #tpu.memory_space<vmem>>) offsets(%dma_start3A_58 : memref<80xi32, #tpu.memory_space<vmem>>) semaphore(%arg8 : memref<!tpu.dma_semaphore, #tpu.memory_space<semaphore_mem>>)
      } else {
      }
      %mul3A_42 = arith.constant 80 : i32
      %mul3A_43 = arith.muli %add3A_34, %mul3A_42 : i32
      %multiple_of3A_44 = tpu.assume_multiple %mul3A_43, 80 : i32
      %dma_wait3A_45 = tpu.memref_slice %arg5[%multiple_of3A_44] : memref<4000xi32, #tpu.memory_space<vmem>> -> memref<80xi32, #tpu.memory_space<vmem>>
      %dma_wait3A_46 = arith.constant 0 : i32
      %dma_wait3A_47 = arith.constant 0 : i32
      %dma_wait3A_48 = tpu.memref_slice %arg3[%dma_wait3A_46, %dma_wait3A_47] : memref<100000x384xf32, #tpu.memory_space<hbm>> -> memref<100000x384xf32, #tpu.memory_space<hbm>>
      tpu.wait_indirect_dma semaphore(%arg9 : memref<!tpu.dma_semaphore, #tpu.memory_space<semaphore_mem>>) src(%dma_wait3A_48 : memref<100000x384xf32, #tpu.memory_space<hbm>>) dst(%arg7 : memref<80x384xf32, #tpu.memory_space<vmem>>)
      %mul3A_49 = arith.constant 80 : i32
      %mul3A_50 = arith.muli %add3A_34, %mul3A_49 : i32
      %add3A_51 = arith.addi %mul3A_2, %mul3A_50 : i32
      %multiple_of3A_52 = tpu.assume_multiple %add3A_51, 80 : i32
      "tpu.region"() ({
        %run_scoped3A = tpu.sem_alloc : memref<!tpu.dma_semaphore, #tpu.memory_space<semaphore_mem>>
        %dma_start3A_53 = arith.constant 0 : i32
        %dma_start3A_54 = tpu.memref_slice %arg4[%multiple_of3A_52, %dma_start3A_53] : memref<128000x384xf32, #tpu.memory_space<hbm>> -> memref<80x384xf32, #tpu.memory_space<hbm>>
        %dma_start3A_55 = arith.constant 0 : i32
        %dma_start3A_56 = tpu.memref_slice %arg4[%multiple_of3A_52, %dma_start3A_55] : memref<128000x384xf32, #tpu.memory_space<hbm>> -> memref<80x384xf32, #tpu.memory_space<hbm>>
        tpu.enqueue_dma source(%arg7 : memref<80x384xf32, #tpu.memory_space<vmem>>) target(%dma_start3A_56 : memref<80x384xf32, #tpu.memory_space<hbm>>) target_semaphore(%run_scoped3A : memref<!tpu.dma_semaphore, #tpu.memory_space<semaphore_mem>>)
        %dma_wait3A_57 = arith.constant 0 : i32
        %dma_wait3A_58 = tpu.memref_slice %arg4[%multiple_of3A_52, %dma_wait3A_57] : memref<128000x384xf32, #tpu.memory_space<hbm>> -> memref<80x384xf32, #tpu.memory_space<hbm>>
        %dma_wait3A_59 = arith.constant 0 : i32
        %dma_wait3A_60 = tpu.memref_slice %arg4[%multiple_of3A_52, %dma_wait3A_59] : memref<128000x384xf32, #tpu.memory_space<hbm>> -> memref<80x384xf32, #tpu.memory_space<hbm>>
        tpu.wait_dma2 semaphore(%run_scoped3A : memref<!tpu.dma_semaphore, #tpu.memory_space<semaphore_mem>>) src(%arg7 : memref<80x384xf32, #tpu.memory_space<vmem>>) dst(%dma_wait3A_60 : memref<80x384xf32, #tpu.memory_space<hbm>>)
        tpu.yield
      }) : () -> ()
    }
    %scan3A_11 = arith.constant 25 : i32
    return
  }
}

module attributes {stable_mosaic.version = 14 : i64} {
  func.func @_pad_body(%arg0: i32, %arg1: memref<4000x300xf32, #tpu.memory_space<vmem>>, %arg2: memref<4000x384xf32, #tpu.memory_space<vmem>>) attributes {dimension_semantics = [#tpu.dimension_semantics<arbitrary>], iteration_bounds = array<i64: 25>, scalar_prefetch = 0 : i64, scratch_operands = 0 : i64, tpu.core_type = #tpu.core_type<tc>, window_params = [{transform_indices = @transform_0, window_bounds = array<i64: 4000, 300>}, {transform_indices = @transform_1, window_bounds = array<i64: 4000, 384>}]} {
    %get3A = arith.constant 0 : index
    %get3A_0 = arith.constant 0 : index
    %get3A_1 = vector.load %arg1[%get3A, %get3A_0] : memref<4000x300xf32, #tpu.memory_space<vmem>>, vector<4000x300xf32>
    %swap3A = arith.constant 0 : index
    %swap3A_2 = arith.constant 0 : index
    %swap3A_3 = vector.load %arg2[%swap3A, %swap3A_2] : memref<4000x384xf32, #tpu.memory_space<vmem>>, vector<4000x300xf32>
    tpu.vector_store %arg2[%swap3A, %swap3A_2], %get3A_1 {strides = array<i32>} : memref<4000x384xf32, #tpu.memory_space<vmem>>, vector<4000x300xf32>,
    %broadcast_in_dim3A = arith.constant 0.000000e+00 : f32
    %broadcast_in_dim3A_4 = vector.broadcast %broadcast_in_dim3A : f32 to vector<4000x84xf32>
    %swap3A_5 = arith.constant 0 : index
    %swap3A_6 = arith.constant 300 : index
    %swap3A_7 = vector.load %arg2[%swap3A_5, %swap3A_6] : memref<4000x384xf32, #tpu.memory_space<vmem>>, vector<4000x84xf32>
    tpu.vector_store %arg2[%swap3A_5, %swap3A_6], %broadcast_in_dim3A_4 {strides = array<i32>} : memref<4000x384xf32, #tpu.memory_space<vmem>>, vector<4000x84xf32>,
    return
  }
  func.func @transform_0(%arg0: i32) -> (i32, i32) {
    %c0_i32 = arith.constant 0 : i32
    %c0_i32_0 = arith.constant 0 : i32
    return %arg0, %c0_i32 : i32, i32
  }
  func.func @transform_1(%arg0: i32) -> (i32, i32) {
    %c0_i32 = arith.constant 0 : i32
    %c0_i32_0 = arith.constant 0 : i32
    return %arg0, %c0_i32 : i32, i32
  }
}

module attributes {stable_mosaic.version = 14 : i64} {
  func.func @_tc_body(%arg0: i32, %arg1: memref<1x1024x384xf32, #tpu.memory_space<vmem>>, %arg2: memref<1x1x1024xi32, #tpu.memory_space<vmem>>, %arg3: memref<1024x100x768xf32, #tpu.memory_space<hbm>>, %arg4: memref<300x768xf32, #tpu.memory_space<vmem>>, %arg5: memref<2x768xf32, #tpu.memory_space<vmem>>, %arg6: memref<1x1x768xf32, #tpu.memory_space<vmem>>, %arg7: memref<1024x125x768xf32, #tpu.memory_space<hbm>>, %arg8: memref<2x1024x768xf32, #tpu.memory_space<vmem>>, %arg9: memref<2x1024x768xf32, #tpu.memory_space<vmem>>, %arg10: memref<2x!tpu.dma_semaphore, #tpu.memory_space<semaphore_mem>>, %arg11: memref<2x!tpu.dma_semaphore, #tpu.memory_space<semaphore_mem>>) attributes {dimension_semantics = [#tpu.dimension_semantics<arbitrary>], iteration_bounds = array<i64: 125>, scalar_prefetch = 0 : i64, scratch_operands = 4 : i64, tpu.core_type = #tpu.core_type<tc>, window_params = [{transform_indices = @transform_0, window_bounds = array<i64: 1, 1024, 384>}, {transform_indices = @transform_1, window_bounds = array<i64: 1, 1, 1024>}, {}, {pipeline_mode = #tpu.pipeline_mode<synchronous>, transform_indices = @transform_3, window_bounds = array<i64: 300, 768>}, {pipeline_mode = #tpu.pipeline_mode<synchronous>, transform_indices = @transform_4, window_bounds = array<i64: 2, 768>}, {transform_indices = @transform_5, window_bounds = array<i64: 1, 1, 768>}, {}]} {
    %rem3A = arith.constant 2 : i32
    %rem3A_0 = arith.remsi %arg0, %rem3A : i32
    %add3A = arith.constant 1 : i32
    %add3A_1 = arith.addi %arg0, %add3A : i32
    %rem3A_2 = arith.constant 2 : i32
    %rem3A_3 = arith.remsi %add3A_1, %rem3A_2 : i32
    %eq3A = arith.constant 0 : i32
    %eq3A_4 = arith.cmpi eq, %arg0, %eq3A : i32
    %convert_element_type3A = arith.extui %eq3A_4 : i1 to i32
    %cond3A = arith.constant 0 : i32
    %cond3A_5 = arith.cmpi ne, %convert_element_type3A, %cond3A : i32
    scf.if %cond3A_5 {
      %dma_start3A_143 = arith.constant 0 : i32
      %dma_start3A_144 = arith.constant 0 : i32
      %dma_start3A_145 = arith.constant 0 : i32
      %dma_start3A_146 = tpu.memref_slice %arg10[%dma_start3A_145] : memref<2x!tpu.dma_semaphore, #tpu.memory_space<semaphore_mem>> -> memref<1x!tpu.dma_semaphore, #tpu.memory_space<semaphore_mem>>
      %dma_start3A_147 = tpu.memref_squeeze %dma_start3A_146 : memref<1x!tpu.dma_semaphore, #tpu.memory_space<semaphore_mem>> -> memref<!tpu.dma_semaphore, #tpu.memory_space<semaphore_mem>>
      %dma_start3A_148 = arith.constant 0 : i32
      %dma_start3A_149 = arith.constant 0 : i32
      %dma_start3A_150 = tpu.memref_slice %arg8[%dma_start3A_144, %dma_start3A_148, %dma_start3A_149] : memref<2x1024x768xf32, #tpu.memory_space<vmem>> -> memref<1x1024x768xf32, #tpu.memory_space<vmem>>
      %dma_start3A_151 = tpu.memref_squeeze %dma_start3A_150 : memref<1x1024x768xf32, #tpu.memory_space<vmem>> -> memref<1024x768xf32, #tpu.memory_space<vmem>>
      %dma_start3A_152 = arith.constant 0 : i32
      %dma_start3A_153 = arith.constant 0 : i32
      %dma_start3A_154 = tpu.memref_slice %arg3[%dma_start3A_152, %dma_start3A_143, %dma_start3A_153] : memref<1024x100x768xf32, #tpu.memory_space<hbm>> -> memref<1024x1x768xf32, #tpu.memory_space<hbm>>
      %dma_start3A_155 = tpu.memref_squeeze %dma_start3A_154 : memref<1024x1x768xf32, #tpu.memory_space<hbm>> -> memref<1024x768xf32, #tpu.memory_space<hbm>>
      tpu.enqueue_dma source(%dma_start3A_155 : memref<1024x768xf32, #tpu.memory_space<hbm>>) target(%dma_start3A_151 : memref<1024x768xf32, #tpu.memory_space<vmem>>) target_semaphore(%dma_start3A_147 : memref<!tpu.dma_semaphore, #tpu.memory_space<semaphore_mem>>)
    } else {
    }
    %add3A_6 = arith.constant 1 : i32
    %add3A_7 = arith.addi %arg0, %add3A_6 : i32
    %lt3A = arith.constant 100 : i32
    %lt3A_8 = arith.cmpi slt, %add3A_7, %lt3A : i32
    %convert_element_type3A_9 = arith.extui %lt3A_8 : i1 to i32
    %cond3A_10 = arith.constant 0 : i32
    %cond3A_11 = arith.cmpi ne, %convert_element_type3A_9, %cond3A_10 : i32
    scf.if %cond3A_11 {
      %add3A_143 = arith.constant 1 : i32
      %add3A_144 = arith.addi %arg0, %add3A_143 : i32
      %dma_start3A_145 = tpu.memref_slice %arg10[%rem3A_3] : memref<2x!tpu.dma_semaphore, #tpu.memory_space<semaphore_mem>> -> memref<1x!tpu.dma_semaphore, #tpu.memory_space<semaphore_mem>>
      %dma_start3A_146 = tpu.memref_squeeze %dma_start3A_145 : memref<1x!tpu.dma_semaphore, #tpu.memory_space<semaphore_mem>> -> memref<!tpu.dma_semaphore, #tpu.memory_space<semaphore_mem>>
      %dma_start3A_147 = arith.constant 0 : i32
      %dma_start3A_148 = arith.constant 0 : i32
      %dma_start3A_149 = tpu.memref_slice %arg8[%rem3A_3, %dma_start3A_147, %dma_start3A_148] : memref<2x1024x768xf32, #tpu.memory_space<vmem>> -> memref<1x1024x768xf32, #tpu.memory_space<vmem>>
      %dma_start3A_150 = tpu.memref_squeeze %dma_start3A_149 : memref<1x1024x768xf32, #tpu.memory_space<vmem>> -> memref<1024x768xf32, #tpu.memory_space<vmem>>
      %dma_start3A_151 = arith.constant 0 : i32
      %dma_start3A_152 = arith.constant 0 : i32
      %dma_start3A_153 = tpu.memref_slice %arg3[%dma_start3A_151, %add3A_144, %dma_start3A_152] : memref<1024x100x768xf32, #tpu.memory_space<hbm>> -> memref<1024x1x768xf32, #tpu.memory_space<hbm>>
      %dma_start3A_154 = tpu.memref_squeeze %dma_start3A_153 : memref<1024x1x768xf32, #tpu.memory_space<hbm>> -> memref<1024x768xf32, #tpu.memory_space<hbm>>
      tpu.enqueue_dma source(%dma_start3A_154 : memref<1024x768xf32, #tpu.memory_space<hbm>>) target(%dma_start3A_150 : memref<1024x768xf32, #tpu.memory_space<vmem>>) target_semaphore(%dma_start3A_146 : memref<!tpu.dma_semaphore, #tpu.memory_space<semaphore_mem>>)
    } else {
    }
    %lt3A_12 = arith.constant 100 : i32
    %lt3A_13 = arith.cmpi slt, %arg0, %lt3A_12 : i32
    %convert_element_type3A_14 = arith.extui %lt3A_13 : i1 to i32
    %cond3A_15 = arith.constant 0 : i32
    %cond3A_16 = arith.cmpi ne, %convert_element_type3A_14, %cond3A_15 : i32
    scf.if %cond3A_16 {
      %dma_wait3A = tpu.memref_slice %arg10[%rem3A_0] : memref<2x!tpu.dma_semaphore, #tpu.memory_space<semaphore_mem>> -> memref<1x!tpu.dma_semaphore, #tpu.memory_space<semaphore_mem>>
      %dma_wait3A_143 = tpu.memref_squeeze %dma_wait3A : memref<1x!tpu.dma_semaphore, #tpu.memory_space<semaphore_mem>> -> memref<!tpu.dma_semaphore, #tpu.memory_space<semaphore_mem>>
      %dma_wait3A_144 = arith.constant 0 : i32
      %dma_wait3A_145 = arith.constant 0 : i32
      %dma_wait3A_146 = tpu.memref_slice %arg8[%rem3A_0, %dma_wait3A_144, %dma_wait3A_145] : memref<2x1024x768xf32, #tpu.memory_space<vmem>> -> memref<1x1024x768xf32, #tpu.memory_space<vmem>>
      %dma_wait3A_147 = tpu.memref_squeeze %dma_wait3A_146 : memref<1x1024x768xf32, #tpu.memory_space<vmem>> -> memref<1024x768xf32, #tpu.memory_space<vmem>>
      %dma_wait3A_148 = arith.constant 0 : i32
      %dma_wait3A_149 = arith.constant 0 : i32
      %dma_wait3A_150 = tpu.memref_slice %arg3[%dma_wait3A_148, %arg0, %dma_wait3A_149] : memref<1024x100x768xf32, #tpu.memory_space<hbm>> -> memref<1024x1x768xf32, #tpu.memory_space<hbm>>
      %dma_wait3A_151 = tpu.memref_squeeze %dma_wait3A_150 : memref<1024x1x768xf32, #tpu.memory_space<hbm>> -> memref<1024x768xf32, #tpu.memory_space<hbm>>
      tpu.wait_dma2 semaphore(%dma_wait3A_143 : memref<!tpu.dma_semaphore, #tpu.memory_space<semaphore_mem>>) src(%dma_wait3A_151 : memref<1024x768xf32, #tpu.memory_space<hbm>>) dst(%dma_wait3A_147 : memref<1024x768xf32, #tpu.memory_space<vmem>>)
    } else {
    }
    %get3A = arith.constant 0 : index
    %get3A_17 = arith.constant 0 : index
    %get3A_18 = arith.constant 0 : index
    %get3A_19 = vector.load %arg1[%get3A, %get3A_17, %get3A_18] : memref<1x1024x384xf32, #tpu.memory_space<vmem>>, vector<1x1024x384xf32>
    %get3A_20 = vector.shape_cast %get3A_19 : vector<1x1024x384xf32> to vector<1024x384xf32>
    %slice3A = vector.extract_strided_slice %get3A_20 {offsets = [0, 0], sizes = [1024, 300], strides = [1, 1]} : vector<1024x384xf32> to vector<1024x300xf32>
    %broadcast_in_dim3A = arith.constant 0.00333333341 : f32
    %broadcast_in_dim3A_21 = vector.broadcast %broadcast_in_dim3A : f32 to vector<300x1xf32>
    %dot_general3A = arith.constant dense<0.000000e+00> : vector<1024x1xf32>
    %dot_general3A_22 = tpu.matmul %slice3A, %broadcast_in_dim3A_21, %dot_general3A {dimension_numbers = #tpu.dot_dimension_numbers<[1], [0], [0], [1], [0, 0, 1, 1], [], []>, transpose_lhs_hint = false} : vector<1024x300xf32>, vector<300x1xf32>, vector<1024x1xf32> -> vector<1024x1xf32>
    %sub3A = vector.broadcast %dot_general3A_22 : vector<1024x1xf32> to vector<1024x300xf32>
    %sub3A_23 = arith.subf %slice3A, %sub3A : vector<1024x300xf32>
    %mul3A = arith.mulf %sub3A_23, %sub3A_23 : vector<1024x300xf32>
    %dot_general3A_24 = arith.constant dense<0.000000e+00> : vector<1024x1xf32>
    %dot_general3A_25 = tpu.matmul %mul3A, %broadcast_in_dim3A_21, %dot_general3A_24 {dimension_numbers = #tpu.dot_dimension_numbers<[1], [0], [0], [1], [0, 0, 1, 1], [], []>, transpose_lhs_hint = false} : vector<1024x300xf32>, vector<300x1xf32>, vector<1024x1xf32> -> vector<1024x1xf32>
    %add3A_26 = arith.constant 9.99999996E-13 : f32
    %add3A_27 = vector.broadcast %add3A_26 : f32 to vector<1024x1xf32>
    %add3A_28 = arith.addf %dot_general3A_25, %add3A_27 : vector<1024x1xf32>
    %rsqrt3A = math.rsqrt %add3A_28 : vector<1024x1xf32>
    %mul3A_29 = vector.broadcast %rsqrt3A : vector<1024x1xf32> to vector<1024x300xf32>
    %mul3A_30 = arith.mulf %sub3A_23, %mul3A_29 : vector<1024x300xf32>
    %get3A_31 = arith.constant 0 : index
    %get3A_32 = arith.constant 0 : index
    %get3A_33 = vector.load %arg4[%get3A_31, %get3A_32] : memref<300x768xf32, #tpu.memory_space<vmem>>, vector<300x768xf32>
    %dot_general3A_34 = arith.constant dense<0.000000e+00> : vector<1024x768xf32>
    %dot_general3A_35 = tpu.matmul %mul3A_30, %get3A_33, %dot_general3A_34 {dimension_numbers = #tpu.dot_dimension_numbers<[1], [0], [0], [1], [0, 0, 1, 1], [], []>, transpose_lhs_hint = false} : vector<1024x300xf32>, vector<300x768xf32>, vector<1024x768xf32> -> vector<1024x768xf32>
    %max3A = arith.constant 0.000000e+00 : f32
    %max3A_36 = vector.broadcast %max3A : f32 to vector<1024x768xf32>
    %max3A_37 = arith.maximumf %dot_general3A_35, %max3A_36 : vector<1024x768xf32>
    %broadcast_in_dim3A_38 = arith.constant 0.00130208337 : f32
    %broadcast_in_dim3A_39 = vector.broadcast %broadcast_in_dim3A_38 : f32 to vector<768x1xf32>
    %dot_general3A_40 = arith.constant dense<0.000000e+00> : vector<1024x1xf32>
    %dot_general3A_41 = tpu.matmul %max3A_37, %broadcast_in_dim3A_39, %dot_general3A_40 {dimension_numbers = #tpu.dot_dimension_numbers<[1], [0], [0], [1], [0, 0, 1, 1], [], []>, transpose_lhs_hint = false} : vector<1024x768xf32>, vector<768x1xf32>, vector<1024x1xf32> -> vector<1024x1xf32>
    %mul3A_42 = arith.mulf %max3A_37, %max3A_37 : vector<1024x768xf32>
    %dot_general3A_43 = arith.constant dense<0.000000e+00> : vector<1024x1xf32>
    %dot_general3A_44 = tpu.matmul %mul3A_42, %broadcast_in_dim3A_39, %dot_general3A_43 {dimension_numbers = #tpu.dot_dimension_numbers<[1], [0], [0], [1], [0, 0, 1, 1], [], []>, transpose_lhs_hint = false} : vector<1024x768xf32>, vector<768x1xf32>, vector<1024x1xf32> -> vector<1024x1xf32>
    %mul3A_45 = arith.mulf %dot_general3A_41, %dot_general3A_41 : vector<1024x1xf32>
    %sub3A_46 = arith.subf %dot_general3A_44, %mul3A_45 : vector<1024x1xf32>
    %add3A_47 = arith.constant 9.99999996E-13 : f32
    %add3A_48 = vector.broadcast %add3A_47 : f32 to vector<1024x1xf32>
    %add3A_49 = arith.addf %sub3A_46, %add3A_48 : vector<1024x1xf32>
    %rsqrt3A_50 = math.rsqrt %add3A_49 : vector<1024x1xf32>
    %get3A_51 = arith.constant 0 : index
    %get3A_52 = arith.constant 0 : index
    %get3A_53 = arith.constant 0 : index
    %get3A_54 = vector.load %arg2[%get3A_51, %get3A_52, %get3A_53] : memref<1x1x1024xi32, #tpu.memory_space<vmem>>, vector<1x1x1024xi32>
    %get3A_55 = vector.shape_cast %get3A_54 : vector<1x1x1024xi32> to vector<1024xi32>
    %ne3A = arith.constant 0 : i32
    %ne3A_56 = vector.broadcast %ne3A : i32 to vector<1024xi32>
    %ne3A_57 = arith.cmpi ne, %get3A_55, %ne3A_56 : vector<1024xi32>
    %convert_element_type3A_58 = arith.extui %ne3A_57 : vector<1024xi1> to vector<1024xi32>
    %convert_element_type3A_59 = arith.sitofp %convert_element_type3A_58 : vector<1024xi32> to vector<1024xf32>
    %broadcast_in_dim3A_60 = vector.shape_cast %convert_element_type3A_59 : vector<1024xf32> to vector<1024x1xf32>
    %get3A_61 = arith.constant 1 : index
    %get3A_62 = arith.constant 0 : index
    %get3A_63 = vector.load %arg5[%get3A_61, %get3A_62] : memref<2x768xf32, #tpu.memory_space<vmem>>, vector<1x768xf32>
    %get3A_64 = vector.shape_cast %get3A_63 : vector<1x768xf32> to vector<768xf32>
    %get3A_65 = arith.constant 0 : index
    %get3A_66 = arith.constant 0 : index
    %get3A_67 = vector.load %arg5[%get3A_65, %get3A_66] : memref<2x768xf32, #tpu.memory_space<vmem>>, vector<1x768xf32>
    %get3A_68 = vector.shape_cast %get3A_67 : vector<1x768xf32> to vector<768xf32>
    %sub3A_69 = arith.subf %get3A_64, %get3A_68 : vector<768xf32>
    %get3A_70 = arith.constant 0 : index
    %get3A_71 = arith.constant 0 : index
    %get3A_72 = arith.constant 0 : index
    %get3A_73 = vector.load %arg6[%get3A_70, %get3A_71, %get3A_72] : memref<1x1x768xf32, #tpu.memory_space<vmem>>, vector<1x1x768xf32>
    %get3A_74 = vector.shape_cast %get3A_73 : vector<1x1x768xf32> to vector<1x768xf32>
    %get3A_75 = arith.constant 0 : index
    %get3A_76 = arith.constant 0 : index
    %get3A_77 = vector.load %arg5[%get3A_75, %get3A_76] : memref<2x768xf32, #tpu.memory_space<vmem>>, vector<1x768xf32>
    %get3A_78 = vector.shape_cast %get3A_77 : vector<1x768xf32> to vector<768xf32>
    %broadcast_in_dim3A_79 = vector.shape_cast %get3A_78 : vector<768xf32> to vector<1x768xf32>
    %add3A_80 = arith.addf %get3A_74, %broadcast_in_dim3A_79 : vector<1x768xf32>
    %lt3A_81 = arith.constant 100 : i32
    %lt3A_82 = arith.cmpi slt, %arg0, %lt3A_81 : i32
    %jit3A = arith.constant 1.000000e+00 : f32
    %jit3A_83 = arith.constant 0.000000e+00 : f32
    %select_n3A = arith.select %lt3A_82, %jit3A, %jit3A_83 : f32
    %mul3A_84 = vector.broadcast %rsqrt3A_50 : vector<1024x1xf32> to vector<1024x768xf32>
    %mul3A_85 = arith.mulf %max3A_37, %mul3A_84 : vector<1024x768xf32>
    %mul3A_86 = arith.mulf %dot_general3A_41, %rsqrt3A_50 : vector<1024x1xf32>
    %sub3A_87 = vector.broadcast %add3A_80 : vector<1x768xf32> to vector<1024x768xf32>
    %sub3A_88 = vector.broadcast %mul3A_86 : vector<1024x1xf32> to vector<1024x768xf32>
    %sub3A_89 = arith.subf %sub3A_87, %sub3A_88 : vector<1024x768xf32>
    %add3A_90 = arith.addf %mul3A_85, %sub3A_89 : vector<1024x768xf32>
    %broadcast_in_dim3A_91 = vector.shape_cast %sub3A_69 : vector<768xf32> to vector<1x768xf32>
    %mul3A_92 = vector.broadcast %broadcast_in_dim3A_60 : vector<1024x1xf32> to vector<1024x768xf32>
    %mul3A_93 = vector.broadcast %broadcast_in_dim3A_91 : vector<1x768xf32> to vector<1024x768xf32>
    %mul3A_94 = arith.mulf %mul3A_92, %mul3A_93 : vector<1024x768xf32>
    %get3A_95 = arith.index_cast %rem3A_0 : i32 to index
    %get3A_96 = arith.constant 0 : index
    %get3A_97 = arith.constant 0 : index
    %get3A_98 = vector.load %arg8[%get3A_95, %get3A_96, %get3A_97] : memref<2x1024x768xf32, #tpu.memory_space<vmem>>, vector<1x1024x768xf32>
    %get3A_99 = vector.shape_cast %get3A_98 : vector<1x1024x768xf32> to vector<1024x768xf32>
    %mul3A_100 = vector.broadcast %select_n3A : f32 to vector<1024x768xf32>
    %mul3A_101 = arith.mulf %get3A_99, %mul3A_100 : vector<1024x768xf32>
    %add3A_102 = arith.addf %mul3A_94, %mul3A_101 : vector<1024x768xf32>
    %add3A_103 = arith.addf %add3A_90, %add3A_102 : vector<1024x768xf32>
    %dot_general3A_104 = arith.constant dense<0.000000e+00> : vector<1024x1xf32>
    %dot_general3A_105 = tpu.matmul %add3A_103, %broadcast_in_dim3A_39, %dot_general3A_104 {dimension_numbers = #tpu.dot_dimension_numbers<[1], [0], [0], [1], [0, 0, 1, 1], [], []>, transpose_lhs_hint = false} : vector<1024x768xf32>, vector<768x1xf32>, vector<1024x1xf32> -> vector<1024x1xf32>
    %mul3A_106 = arith.mulf %add3A_103, %add3A_103 : vector<1024x768xf32>
    %dot_general3A_107 = arith.constant dense<0.000000e+00> : vector<1024x1xf32>
    %dot_general3A_108 = tpu.matmul %mul3A_106, %broadcast_in_dim3A_39, %dot_general3A_107 {dimension_numbers = #tpu.dot_dimension_numbers<[1], [0], [0], [1], [0, 0, 1, 1], [], []>, transpose_lhs_hint = false} : vector<1024x768xf32>, vector<768x1xf32>, vector<1024x1xf32> -> vector<1024x1xf32>
    %mul3A_109 = arith.mulf %dot_general3A_105, %dot_general3A_105 : vector<1024x1xf32>
    %sub3A_110 = arith.subf %dot_general3A_108, %mul3A_109 : vector<1024x1xf32>
    %add3A_111 = arith.constant 9.99999996E-13 : f32
    %add3A_112 = vector.broadcast %add3A_111 : f32 to vector<1024x1xf32>
    %add3A_113 = arith.addf %sub3A_110, %add3A_112 : vector<1024x1xf32>
    %rsqrt3A_114 = math.rsqrt %add3A_113 : vector<1024x1xf32>
    %ge3A = arith.constant 2 : i32
    %ge3A_115 = arith.cmpi sge, %arg0, %ge3A : i32
    %convert_element_type3A_116 = arith.extui %ge3A_115 : i1 to i32
    %cond3A_117 = arith.constant 0 : i32
    %cond3A_118 = arith.cmpi ne, %convert_element_type3A_116, %cond3A_117 : i32
    scf.if %cond3A_118 {
      %sub3A_143 = arith.constant 2 : i32
      %sub3A_144 = arith.subi %arg0, %sub3A_143 : i32
      %dma_wait3A = tpu.memref_slice %arg11[%rem3A_0] : memref<2x!tpu.dma_semaphore, #tpu.memory_space<semaphore_mem>> -> memref<1x!tpu.dma_semaphore, #tpu.memory_space<semaphore_mem>>
      %dma_wait3A_145 = tpu.memref_squeeze %dma_wait3A : memref<1x!tpu.dma_semaphore, #tpu.memory_space<semaphore_mem>> -> memref<!tpu.dma_semaphore, #tpu.memory_space<semaphore_mem>>
      %dma_wait3A_146 = arith.constant 0 : i32
      %dma_wait3A_147 = arith.constant 0 : i32
      %dma_wait3A_148 = tpu.memref_slice %arg7[%dma_wait3A_146, %sub3A_144, %dma_wait3A_147] : memref<1024x125x768xf32, #tpu.memory_space<hbm>> -> memref<1024x1x768xf32, #tpu.memory_space<hbm>>
      %dma_wait3A_149 = tpu.memref_squeeze %dma_wait3A_148 : memref<1024x1x768xf32, #tpu.memory_space<hbm>> -> memref<1024x768xf32, #tpu.memory_space<hbm>>
      %dma_wait3A_150 = arith.constant 0 : i32
      %dma_wait3A_151 = arith.constant 0 : i32
      %dma_wait3A_152 = tpu.memref_slice %arg9[%rem3A_0, %dma_wait3A_150, %dma_wait3A_151] : memref<2x1024x768xf32, #tpu.memory_space<vmem>> -> memref<1x1024x768xf32, #tpu.memory_space<vmem>>
      %dma_wait3A_153 = tpu.memref_squeeze %dma_wait3A_152 : memref<1x1024x768xf32, #tpu.memory_space<vmem>> -> memref<1024x768xf32, #tpu.memory_space<vmem>>
      tpu.wait_dma2 semaphore(%dma_wait3A_145 : memref<!tpu.dma_semaphore, #tpu.memory_space<semaphore_mem>>) src(%dma_wait3A_153 : memref<1024x768xf32, #tpu.memory_space<vmem>>) dst(%dma_wait3A_149 : memref<1024x768xf32, #tpu.memory_space<hbm>>)
    } else {
    }
    %mul3A_119 = vector.broadcast %rsqrt3A_114 : vector<1024x1xf32> to vector<1024x768xf32>
    %mul3A_120 = arith.mulf %add3A_103, %mul3A_119 : vector<1024x768xf32>
    %mul3A_121 = arith.mulf %dot_general3A_105, %rsqrt3A_114 : vector<1024x1xf32>
    %sub3A_122 = vector.broadcast %mul3A_121 : vector<1024x1xf32> to vector<1024x768xf32>
    %sub3A_123 = arith.subf %mul3A_120, %sub3A_122 : vector<1024x768xf32>
    %swap3A = arith.index_cast %rem3A_0 : i32 to index
    %swap3A_124 = arith.constant 0 : index
    %swap3A_125 = arith.constant 0 : index
    %swap3A_126 = vector.load %arg9[%swap3A, %swap3A_124, %swap3A_125] : memref<2x1024x768xf32, #tpu.memory_space<vmem>>, vector<1x1024x768xf32>
    %swap3A_127 = vector.shape_cast %swap3A_126 : vector<1x1024x768xf32> to vector<1024x768xf32>
    %swap3A_128 = vector.shape_cast %sub3A_123 : vector<1024x768xf32> to vector<1x1024x768xf32>
    tpu.vector_store %arg9[%swap3A, %swap3A_124, %swap3A_125], %swap3A_128 {strides = array<i32>} : memref<2x1024x768xf32, #tpu.memory_space<vmem>>, vector<1x1024x768xf32>,
    %dma_start3A = tpu.memref_slice %arg11[%rem3A_0] : memref<2x!tpu.dma_semaphore, #tpu.memory_space<semaphore_mem>> -> memref<1x!tpu.dma_semaphore, #tpu.memory_space<semaphore_mem>>
    %dma_start3A_129 = tpu.memref_squeeze %dma_start3A : memref<1x!tpu.dma_semaphore, #tpu.memory_space<semaphore_mem>> -> memref<!tpu.dma_semaphore, #tpu.memory_space<semaphore_mem>>
    %dma_start3A_130 = arith.constant 0 : i32
    %dma_start3A_131 = arith.constant 0 : i32
    %dma_start3A_132 = tpu.memref_slice %arg7[%dma_start3A_130, %arg0, %dma_start3A_131] : memref<1024x125x768xf32, #tpu.memory_space<hbm>> -> memref<1024x1x768xf32, #tpu.memory_space<hbm>>
    %dma_start3A_133 = tpu.memref_squeeze %dma_start3A_132 : memref<1024x1x768xf32, #tpu.memory_space<hbm>> -> memref<1024x768xf32, #tpu.memory_space<hbm>>
    %dma_start3A_134 = arith.constant 0 : i32
    %dma_start3A_135 = arith.constant 0 : i32
    %dma_start3A_136 = tpu.memref_slice %arg9[%rem3A_0, %dma_start3A_134, %dma_start3A_135] : memref<2x1024x768xf32, #tpu.memory_space<vmem>> -> memref<1x1024x768xf32, #tpu.memory_space<vmem>>
    %dma_start3A_137 = tpu.memref_squeeze %dma_start3A_136 : memref<1x1024x768xf32, #tpu.memory_space<vmem>> -> memref<1024x768xf32, #tpu.memory_space<vmem>>
    tpu.enqueue_dma source(%dma_start3A_137 : memref<1024x768xf32, #tpu.memory_space<vmem>>) target(%dma_start3A_133 : memref<1024x768xf32, #tpu.memory_space<hbm>>) target_semaphore(%dma_start3A_129 : memref<!tpu.dma_semaphore, #tpu.memory_space<semaphore_mem>>)
    %eq3A_138 = arith.constant 124 : i32
    %eq3A_139 = arith.cmpi eq, %arg0, %eq3A_138 : i32
    %convert_element_type3A_140 = arith.extui %eq3A_139 : i1 to i32
    %cond3A_141 = arith.constant 0 : i32
    %cond3A_142 = arith.cmpi ne, %convert_element_type3A_140, %cond3A_141 : i32
    scf.if %cond3A_142 {
      %sub3A_143 = arith.constant 1 : i32
      %sub3A_144 = arith.subi %sub3A_143, %rem3A_0 : i32
      %sub3A_145 = arith.constant 1 : i32
      %sub3A_146 = arith.subi %arg0, %sub3A_145 : i32
      %sub3A_147 = arith.constant 1 : i32
      %sub3A_148 = arith.subi %sub3A_147, %rem3A_0 : i32
      %dma_wait3A = tpu.memref_slice %arg11[%sub3A_148] : memref<2x!tpu.dma_semaphore, #tpu.memory_space<semaphore_mem>> -> memref<1x!tpu.dma_semaphore, #tpu.memory_space<semaphore_mem>>
      %dma_wait3A_149 = tpu.memref_squeeze %dma_wait3A : memref<1x!tpu.dma_semaphore, #tpu.memory_space<semaphore_mem>> -> memref<!tpu.dma_semaphore, #tpu.memory_space<semaphore_mem>>
      %dma_wait3A_150 = arith.constant 0 : i32
      %dma_wait3A_151 = arith.constant 0 : i32
      %dma_wait3A_152 = tpu.memref_slice %arg7[%dma_wait3A_150, %sub3A_146, %dma_wait3A_151] : memref<1024x125x768xf32, #tpu.memory_space<hbm>> -> memref<1024x1x768xf32, #tpu.memory_space<hbm>>
      %dma_wait3A_153 = tpu.memref_squeeze %dma_wait3A_152 : memref<1024x1x768xf32, #tpu.memory_space<hbm>> -> memref<1024x768xf32, #tpu.memory_space<hbm>>
      %dma_wait3A_154 = arith.constant 0 : i32
      %dma_wait3A_155 = arith.constant 0 : i32
      %dma_wait3A_156 = tpu.memref_slice %arg9[%sub3A_144, %dma_wait3A_154, %dma_wait3A_155] : memref<2x1024x768xf32, #tpu.memory_space<vmem>> -> memref<1x1024x768xf32, #tpu.memory_space<vmem>>
      %dma_wait3A_157 = tpu.memref_squeeze %dma_wait3A_156 : memref<1x1024x768xf32, #tpu.memory_space<vmem>> -> memref<1024x768xf32, #tpu.memory_space<vmem>>
      tpu.wait_dma2 semaphore(%dma_wait3A_149 : memref<!tpu.dma_semaphore, #tpu.memory_space<semaphore_mem>>) src(%dma_wait3A_157 : memref<1024x768xf32, #tpu.memory_space<vmem>>) dst(%dma_wait3A_153 : memref<1024x768xf32, #tpu.memory_space<hbm>>)
      %dma_wait3A_158 = tpu.memref_slice %arg11[%rem3A_0] : memref<2x!tpu.dma_semaphore, #tpu.memory_space<semaphore_mem>> -> memref<1x!tpu.dma_semaphore, #tpu.memory_space<semaphore_mem>>
      %dma_wait3A_159 = tpu.memref_squeeze %dma_wait3A_158 : memref<1x!tpu.dma_semaphore, #tpu.memory_space<semaphore_mem>> -> memref<!tpu.dma_semaphore, #tpu.memory_space<semaphore_mem>>
      %dma_wait3A_160 = arith.constant 0 : i32
      %dma_wait3A_161 = arith.constant 0 : i32
      %dma_wait3A_162 = tpu.memref_slice %arg7[%dma_wait3A_160, %arg0, %dma_wait3A_161] : memref<1024x125x768xf32, #tpu.memory_space<hbm>> -> memref<1024x1x768xf32, #tpu.memory_space<hbm>>
      %dma_wait3A_163 = tpu.memref_squeeze %dma_wait3A_162 : memref<1024x1x768xf32, #tpu.memory_space<hbm>> -> memref<1024x768xf32, #tpu.memory_space<hbm>>
      %dma_wait3A_164 = arith.constant 0 : i32
      %dma_wait3A_165 = arith.constant 0 : i32
      %dma_wait3A_166 = tpu.memref_slice %arg9[%rem3A_0, %dma_wait3A_164, %dma_wait3A_165] : memref<2x1024x768xf32, #tpu.memory_space<vmem>> -> memref<1x1024x768xf32, #tpu.memory_space<vmem>>
      %dma_wait3A_167 = tpu.memref_squeeze %dma_wait3A_166 : memref<1x1024x768xf32, #tpu.memory_space<vmem>> -> memref<1024x768xf32, #tpu.memory_space<vmem>>
      tpu.wait_dma2 semaphore(%dma_wait3A_159 : memref<!tpu.dma_semaphore, #tpu.memory_space<semaphore_mem>>) src(%dma_wait3A_167 : memref<1024x768xf32, #tpu.memory_space<vmem>>) dst(%dma_wait3A_163 : memref<1024x768xf32, #tpu.memory_space<hbm>>)
    } else {
    }
    return
  }
  func.func @transform_0(%arg0: i32) -> (i32, i32, i32) {
    %c0_i32 = arith.constant 0 : i32
    %c0_i32_0 = arith.constant 0 : i32
    %c0_i32_1 = arith.constant 0 : i32
    return %arg0, %c0_i32, %c0_i32_0 : i32, i32, i32
  }
  func.func @transform_1(%arg0: i32) -> (i32, i32, i32) {
    %c0_i32 = arith.constant 0 : i32
    %c0_i32_0 = arith.constant 0 : i32
    %c0_i32_1 = arith.constant 0 : i32
    return %arg0, %c0_i32, %c0_i32_0 : i32, i32, i32
  }
  func.func @transform_3(%arg0: i32) -> (i32, i32) {
    %c0_i32 = arith.constant 0 : i32
    %c0_i32_0 = arith.constant 0 : i32
    %c0_i32_1 = arith.constant 0 : i32
    return %c0_i32, %c0_i32_0 : i32, i32
  }
  func.func @transform_4(%arg0: i32) -> (i32, i32) {
    %c0_i32 = arith.constant 0 : i32
    %c0_i32_0 = arith.constant 0 : i32
    %c0_i32_1 = arith.constant 0 : i32
    return %c0_i32, %c0_i32_0 : i32, i32
  }
  func.func @transform_5(%arg0: i32) -> (i32, i32, i32) {
    %c0_i32 = arith.constant 0 : i32
    %c0_i32_0 = arith.constant 0 : i32
    %c0_i32_1 = arith.constant 0 : i32
    return %arg0, %c0_i32, %c0_i32_0 : i32, i32, i32
  }
}

</mosaic_0001>

<sc_bundles>
// kernel: kernel.5.cloned.1.call-start
scs
__scs_entry_jumppad:
0x0: {  	(pc) =	sbr.rel $0x88, $3  }
0x1: {  	(tag) =	ssettag $0x0;
	lr =	simm.s32 $0x1  }
0x2: {  	[smem:$0x3F9B] =	sst lr;
	_ =	strace $0xD0000000  }
0x3: {  	_ = 	snop  }
0x4: {  	_ = 	snop  }
0x5: {  	_ = 	snop  }
0x6: {  	_ = 	snop  }
0x7: {  	_ = 	snop  }
__scs_overlays_trampoline_lowered:
0x8: {  	[smem:$0x3FAA] =	sst s0  }
0x9: {  	[smem:$0x3FAB] =	sst s1  }
0xa: {  	[smem:$0x3FAC] =	sst s2  }
0xb: {  	[smem:$0x3FAD] =	sst s3  }
0xc: {  	[smem:$0x3FAE] =	sst s4  }
0xd: {  	[smem:$0x3FAF] =	sst s5  }
0xe: {  	[smem:$0x3FB0] =	sst s6  }
0xf: {  	[smem:$0x3FB1] =	sst s7  }
0x10: {  	[smem:$0x3FB2] =	sst s8  }
0x11: {  	[smem:$0x3FB3] =	sst s9;
	s0 =	simm.s32 @!p0 $0x0  }
0x12: {  	s1 =	sld [smem:$0x3F99];
	s0 =	simm.s32 @p0 $0x1  }
0x13: {  	[smem:$0x3FB4] =	sst s0;
	s0 =	simm.s32 @!p1 $0x0  }
0x14: {  	s2 =	sld [smem:$0x3F98];
	s0 =	simm.s32 @p1 $0x1  }
0x15: {  	[smem:$0x3FB5] =	sst s0;
	s0 =	simm.s32 @!p2 $0x0  }
0x16: {  	s3 =	sld [smem:$0x3FDB];
	s0 =	simm.s32 @p2 $0x1  }
0x17: {  	s4 =	simm.s32 $0x1BF5;
	[smem:$0x3FB7] =	sst s0  }
0x18: {  	s0 =	sld [smem:$0x3F9A];
	_ =	swait.ge [sflag:s4], $0x0  }
0x19: {  	s7 =	sld [smem:$0x3F9B]  }
0x1a: {  	s8 =	sadd.s32 $0xFFFFE003, lr  }
0x1b: {  	s9 =	sadd.s32 $0xFFFFFEF7, lr;
	s5 =	simm.s32 $0xFFFFFFFF;
	p2 =	slt.u32 s8, $0xFFFFF086  }
0x1c: {  	p1 =	slt.u32 s9, $0xF7A;
	s5 =	simm.s32 @!p2 $0x0  }
0x1d: {  	s5 =	simm.s32 @p1 $0x1;
	p0 =	seq.s32 s7, s2  }
0x1e: {  	s7 =	smul.u32 @!p0 $0xF7A, s2;
	p2 =	seq.s32 @!p0 s5, $0x0  }
0x1f: {  	s9 =	smul.u32 $0xF7A, s1;
	s8 =	simm.s32 @!p0 $0x1BF5;
	p2 =	por !p2, p0  }
0x20: {  	[sflag:s8] =	ssyncset.s32 @!p0 $0xFFFFF086;
	s6 =	sadd.s32 @!p0 s3, s7;
	s7 =	simm.s32 @!p0 $0x108  }
0x21: {  	s3 =	sadd.s32 s3, s9;
	s6 =	sadd.s32 @!p0 $0x88, s6;
	s7 =	simm.s32 @p2 $0x1082  }
0x22: {  	[simem:s7], [sflag:s8] =	dma.local @!p0 [hbm:s6], $0xF7A  }
0x23: {  	s9 =	sor.u32 $0xD0000000, s2;
	s6 =	simm.s32 $0x108;
	_ =	swait.ge @!p0 [sflag:s8], $0x0  }
0x24: {  	s3 =	sadd.s32 $0x88, s3;
	s6 =	simm.s32 @!p1 $0x1082;
	[sflag:s4] =	ssyncset.s32 $0xFFFFF086  }
0x25: {  	[simem:s6], [sflag:s4] =	dma.local [hbm:s3], $0xF7A  }
0x26: {  	[smem:$0x3F9B] =	sst s1;
	(tag) =	ssettag s2;
	_ =	strace s9  }
0x27: {  	s1 =	sld [smem:$0x3FAB]  }
0x28: {  	s2 =	sld [smem:$0x3FAC]  }
0x29: {  	s4 =	sld [smem:$0x3FAE]  }
0x2a: {  	p0 =	seq.s32 s5, $0x0;
	s5 =	sld [smem:$0x3FAF]  }
0x2b: {  	s6 =	sld [smem:$0x3FB0]  }
0x2c: {  	s7 =	sld [smem:$0x3FB1]  }
0x2d: {  	s3 =	simm.s32 $0x108;
	s8 =	sld [smem:$0x3FB2]  }
0x2e: {  	s3 =	simm.s32 @!p0 $0x1082;
	s9 =	sld [smem:$0x3FB3]  }
0x2f: {  	lr =	sadd.s32 s0, s3;
	s0 =	sld [smem:$0x3FAA]  }
0x30: {  	s3 =	sld [smem:$0x3FAD]  }
0x31: {  	[smem:$0x3FB6] =	sst s10  }
0x32: {  	s10 =	sld [smem:$0x3FB4];
	_ =	sdelay $0x3  }
0x33: {  	p0 =	seq.s32 s10, $0x1;
	s10 =	sld [smem:$0x3FB6];
	_ =	sdelay $0x3  }
0x34: {  	[smem:$0x3FB6] =	sst s10  }
0x35: {  	s10 =	sld [smem:$0x3FB5];
	_ =	sdelay $0x3  }
0x36: {  	p1 =	seq.s32 s10, $0x1;
	s10 =	sld [smem:$0x3FB6];
	_ =	sdelay $0x3  }
0x37: {  	[smem:$0x3FB6] =	sst s10  }
0x38: {  	s10 =	sld [smem:$0x3FB7]  }
0x39: {  	_ = 	snop;
	(pc) =	sbr.ind lr, $3  }
0x3a: {  	_ = 	snop  }
0x3b: {  	_ = 	snop  }
0x3c: {  	p2 =	seq.s32 s10, $0x1;
	s10 =	sld [smem:$0x3FB6]  }
0x3d: {  	_ =	shalt  }
0x3e: {  	_ =	shalt  }
0x3f: {  	_ =	shalt  }
0x40: {  	_ =	shalt  }
0x41: {  	_ =	shalt  }
0x42: {  	_ =	shalt  }
0x43: {  	_ =	shalt  }
0x44: {  	_ =	shalt  }
0x45: {  	_ =	shalt  }
0x46: {  	_ =	shalt  }
0x47: {  	_ =	shalt  }
0x48: {  	_ =	shalt  }
0x49: {  	_ =	shalt  }
0x4a: {  	_ =	shalt  }
0x4b: {  	_ =	shalt  }
0x4c: {  	_ =	shalt  }
0x4d: {  	_ =	shalt  }
0x4e: {  	_ =	shalt  }
0x4f: {  	_ =	shalt  }
0x50: {  	_ =	shalt  }
0x51: {  	_ =	shalt  }
0x52: {  	_ =	shalt  }
0x53: {  	_ =	shalt  }
0x54: {  	_ =	shalt  }
0x55: {  	_ =	shalt  }
0x56: {  	_ =	shalt  }
0x57: {  	_ =	shalt  }
0x58: {  	_ =	shalt  }
0x59: {  	_ =	shalt  }
0x5a: {  	_ =	shalt  }
0x5b: {  	_ =	shalt  }
0x5c: {  	_ =	shalt  }
0x5d: {  	_ =	shalt  }
0x5e: {  	_ =	shalt  }
0x5f: {  	_ =	shalt  }
0x60: {  	_ =	shalt  }
0x61: {  	_ =	shalt  }
0x62: {  	_ =	shalt  }
0x63: {  	_ =	shalt  }
0x64: {  	_ =	shalt  }
0x65: {  	_ =	shalt  }
0x66: {  	_ =	shalt  }
0x67: {  	_ =	shalt  }
0x68: {  	_ =	shalt  }
0x69: {  	_ =	shalt  }
0x6a: {  	_ =	shalt  }
0x6b: {  	_ =	shalt  }
0x6c: {  	_ =	shalt  }
0x6d: {  	_ =	shalt  }
0x6e: {  	_ =	shalt  }
0x6f: {  	_ =	shalt  }
0x70: {  	_ =	shalt  }
0x71: {  	_ =	shalt  }
0x72: {  	_ =	shalt  }
0x73: {  	_ =	shalt  }
0x74: {  	_ =	shalt  }
0x75: {  	_ =	shalt  }
0x76: {  	_ =	shalt  }
0x77: {  	_ =	shalt  }
0x78: {  	_ =	shalt  }
0x79: {  	_ =	shalt  }
0x7a: {  	_ =	shalt  }
0x7b: {  	_ =	shalt  }
0x7c: {  	_ =	shalt  }
0x7d: {  	_ =	shalt  }
0x7e: {  	_ =	shalt  }
0x7f: {  	_ =	shalt  }
0x80: {  	_ =	shalt  }
0x81: {  	_ =	shalt  }
0x82: {  	_ =	shalt  }
0x83: {  	_ =	shalt  }
0x84: {  	_ =	shalt  }
0x85: {  	_ =	shalt  }
0x86: {  	_ =	shalt  }
0x87: {  	_ =	shalt  }
.Lfunc_end0:
.L_simem_size_0:
called_computation_lowered:
.L_overlay_start_0:
0x88: {  	s2 =	sld [smem:$0x3FD9]  }
0x89: {  	s3 =	sld [smem:$0x3FFE];
	_ =	sdelay $0x1  }
0x8a: {  	s1 =	srdreg.scid  }
0x8b: {  	s0 =	sand.u32 $0x1, s1  }
0x8c: {  	s16 =	sshll.u32 s0, $0xA;
	s2 =	sadd.s32 s3, s2  }
0x8d: {  	s2 =	sadd.s32 s2, s16  }
0x8e: {  	[smem:$0x3FC2] =	sst s2  }
0x8f: {  	_ = 	snop  }
0x90: {  	(tm) =	ssettm $0x1  }
0x91: {  	s17 =	sld [smem:$0x3FFB];
	_ =	sdelay $0x3  }
0x92: {  	_ =	strace s17  }
0x93: {  	s2 =	sld [smem:$0x3FFC];
	_ =	sdelay $0x3  }
0x94: {  	_ =	strace s2  }
0x95: {  	s2 =	sld [smem:$0x3FFD];
	_ =	sdelay $0x3  }
0x96: {  	_ =	strace s2  }
0x97: {  	_ =	strace $0x8FFFFFFF  }
0x98: {  	s18 =	sld [smem:$0x3FDB];
	_ =	sdelay $0x1  }
0x99: {  	s19 =	simm.s32 $_scs_section_size  }
0x9a: {  	s4 =	simm.s32 $_size__tile_overlayer_lowered;
	s5 =	simm.s32 $_tile_overlayer_lowered  }
0x9b: {  	s22 =	simm.s32 $0x1BFF;
	s21 =	sshll.u32 s5, $0x1;
	s2 =	sadd.s32 s19, s18  }
0x9c: {  	s6 =	simm.s32 $0x0;
	s20 =	sshll.u32 s4, $0x1;
	s4 =	sadd.s32 s21, s2  }
0x9d: {  	[timem:s6], [sflag:s22] =	dma.local [hbm:s4], s20  }
0x9e: {  	_ =	swait.ge [sflag:s22], s20  }
0x9f: {  	s3 =	ssub.s32 $0x0, s20;
	[sflag:s22] =	ssyncset.done $0x0  }
0xa0: {  	[sflag:s22] =	ssyncadd.s32 s3;
	_ =	sdelay $0x1  }
0xa1: {  	s23 =	simm.s32 $0x1B8B  }
0xa2: {  	_ =	swait.ge [sflag:s23], $0x1  }
0xa3: {  	[sflag:s23] =	ssyncset.done $0x0  }
0xa4: {  	s25 =	simm.s32 $0x1B8E;
	s24 =	sld [smem:$0x3FFE];
	[sflag:s23] =	ssyncadd.s32 $0xFFFFFFFF  }
0xa5: {  	s26 =	simm.s32 $execute0_lowered;
	[smem:$0x3FD2] =	sst s25  }
0xa6: {  	s4 =	sshll.u32 s26, $0x1;
	_ =	strace $0x80000046;
	[dreg:$0x1] =	wrdreg $0xFFFFFFFF  }
0xa7: {  	s28 =	simm.s32 $_size_execute0_lowered;
	s2 =	sadd.s32 s2, s4;
	[dreg:$0x0] =	wrdreg $0x0  }
0xa8: {  	s4 =	sshll.u32 s28, $0x1;
	[dreg:$0x2] =	wrdreg s2  }
0xa9: {  	[dreg:$0x3] =	wrdreg s4  }
0xaa: {  	[dreg:$0x4] =	wrdreg $0xC0  }
0xab: {  	_ =	task [dreg:s6], $0x5FFFF  }
0xac: {  	[dreg:$0x1] =	wrdreg $0xFFFFFFFF  }
0xad: {  	[dreg:$0x0] =	wrdreg $0x60  }
0xae: {  	[dreg:$0x2] =	wrdreg s24  }
0xaf: {  	[dreg:$0x3] =	wrdreg $0x9  }
0xb0: {  	_ =	task.clear_ibuf [dreg:s6], $0x4FFFF;
	_ =	strace $0x90000046  }
0xb1: {  	s29 =	simm.s32 $0x9;
	_ =	strace $0x80000048  }
0xb2: {  	_ =	swait.ge [sflag:s29], $0x1  }
0xb3: {  	[sflag:s29] =	ssyncadd.s32 $0xFFFFFFFF  }
0xb4: {  	_ =	strace $0x90000048  }
0xb5: {  	_ =	sfence  }
0xb6: {  	s30 =	sld [smem:$0x0];
	_ =	sdelay $0x2  }
0xb7: {  	s31 =	sshll.u32 s1, $0xD;
	s1 =	sshrl.u32 s1, $0x2  }
0xb8: {  	s3 =	sand.u32 $0x4000, s31;
	s1 =	sadd.s32 s1, s30  }
0xb9: {  	s0 =	sor.u32 s3, s0;
	s1 =	sshll.u32 s1, $0x11  }
0xba: {  	s0 =	sor.u32 s1, s0  }
0xbb: {  	s0 =	sadd.s32 $0x8F2B, s0  }
0xbc: {  	[sflag:s0] =	ssyncadd.remote.s32 $0x1  }
0xbd: {  	_ =	sfence.sel $0xFFFF  }
0xbe: {  	[dreg:$0x0] =	wrdreg $0xFFFFFFFF;
	(pc) =	sbr.abs _section_cstart, $3  }
0xbf: {  	[dreg:$0x1] =	wrdreg $0xFFFFFFFF  }
0xc0: {  	_ =	task.clear_ibuf [dreg:s6], $0x2FFFF;
	_ =	strace $0x9FFFFFFF  }
0xc1: {  	(tm) =	ssettm $0x7FFFFFFF  }
tec
execute0_lowered:
.L_overlay_start_1:
0x0: {  	(tag) =	ssettag $0x1  }
0x1: {  	s0 =	srdreg.scid  }
0x2: {  	s2 =	stileid.u32;
	s4 =	rddreg [dreg:$0x0]  }
0x3: {  	s9 =	simm.s32 $0x3;
	s10 =	simm.s32 $0x1000;
	s31 =	simm.s32 $0x8800  }
0x4: {  	s11 =	simm.s32 $0xA800;
	s12 =	simm.s32 $0xAC00;
	s13 =	simm.s32 $0xB400  }
0x5: {  	s14 =	simm.s32 $0xB800;
	s15 =	simm.s32 $0xC000;
	s16 =	simm.s32 $0xC400  }
0x6: {  	s17 =	simm.s32 $0xCC00;
	s18 =	simm.s32 $0xD000;
	s19 =	simm.s32 $0xD800  }
0x7: {  	s20 =	simm.s32 $0xDC00;
	s21 =	simm.s32 $0xE400;
	s22 =	simm.s32 $0xE800  }
0x8: {  	s23 =	simm.s32 $0xF000;
	s24 =	simm.s32 $0xF400;
	s25 =	simm.s32 $0xFC00  }
0x9: {  	s26 =	simm.s32 $0x1;
	s28 =	simm.s32 $0x2;
	s29 =	simm.s32 $0x0  }
0xa: {  	s0 =	sand.u32 $0x1, s0;
	s1 =	sshll.u32 s2, $0x1;
	s3 =	smul.u32 $0x1F40, s2  }
0xb: {  	s2 =	simm.s32 $0x0;
	s8 =	sadd.s32 $0x498C00, s4;
	s1 =	sor.u32 s0, s1  }
0xc: {  	s5 =	smul.u32 $0xFA0, s0;
	[smem:$0x7FF] =	sst s2;
	s0 =	ssub.s32 $0x2, s0  }
0xd: {  	s1 =	smul.u32 $0xFA0, s1;
	_ =	strace $0x80000047;
	s7 =	sshrl.u32 s0, $0x1  }
0xe: {  	s5 =	sadd.s32 s5, s3;
	s3 =	sadd.s32 $0x4E00, s4;
	s0 =	ssub.s32 s0, s7  }
0xf: {  	s1 =	sshrl.u32 s1, $0x3;
	s6 =	sadd.s32 $0x50, s5;
	s5 =	sshrl.u32 s5, $0x3  }
.Ltmp0:
0x10: {  	s0 =	smax.u32 s0, $0x1;
	s1 =	sadd.s32 s1, s4;
	(pc) =	sbr.rel .LBB2_1-.Ltmp0, $4  }
0x11: {  	s6 =	sshrl.u32 s6, $0x3;
	s30 =	smul.u32 $0x180, s5;
	s5 =	sadd.s32 $0x4F00, s4  }
0x12: {  	v2 =	vlaneseq.u32;
	[dreg:$0x3] =	wrdreg s0;
	s6 =	smul.u32 $0x180, s6;
	s1 =	sadd.s32 $0xE00, s1  }
0x13: {  	vm0 =	vmmov $0xffff;
	vm1 =	vmmov $0xff;
	v1 =	vshrl.u32 v2, $0x3;
	s0 =	simm.s32 $0x9400;
	s4 =	simm.s32 $0x9C00;
	[dreg:$0x2] =	wrdreg s1  }
0x14: {  	v0 =	vand.u32 $0x7, v2;
	v2 =	vor.u32 $0x8, v2;
	v1 =	vmul.u32 $0x8, v1;
	s7 =	sadd.s32 s6, s8;
	s8 =	sadd.s32 s30, s8;
	s6 =	simm.s32 $0xA000  }
.LBB2_5:
0x15: {  	s29 =	rddreg [dreg:$0x4]  }
0x16: {  	s1 =	rddreg [dreg:$0x3];
	s29 =	sadd.s32 $0x1, s29  }
0x17: {  	p0 =	sne.s32 s29, s1  }
.Ltmp1:
0x18: {  	_ = 	snop;
	(pc) =	sbr.rel @!p0 .LBB2_6-.Ltmp1, $1  }
0x19: {  	_ =	sdelay $0x3  }
.LBB2_1:
0x1a: {  	[dreg:$0x4] =	wrdreg s29  }
0x1b: {  	s1 =	rddreg [dreg:$0x2]  }
0x1c: {  	[tilespmem:s2], [sflag:$0x3] =	stream.linear.gather [hbm4b:s1+s2], $0xFA0, $0x38;
	[tilespmem:$0x10000] =	vst v63  }
0x1d: {  	_ =	swait.ge [sflag:s9], $0xFA0  }
0x1e: {  	[sflag:s9] =	ssyncset.done $0x0  }
0x1f: {  	[sflag:s9] =	ssyncadd.s32 $0xFFFFF060  }
0x20: {  	v3 =	vld [tilespmem:$0x0];
	_ =	sdelay $0x4  }
0x21: {  	v4 =	vshrl.u32 v3, $0x3  }
0x22: {  	v4 =	vmul.u32 $0x18, v4  }
0x23: {  	v3 =	vand.u32 $0x7, v3  }
0x24: {  	v3 =	vor.u32 v3, v4  }
0x25: {  	v4 =	vperm.xlane v3, v0;
	_ =	sdelay $0x1  }
0x26: {  	v4 =	vadd.s32 v1, v4;
	_ =	sdelay $0x1  }
0x27: {  	v3 =	vperm.xlane v3, v2;
	_ =	sdelay $0x1  }
0x28: {  	v3 =	vadd.s32 v1, v3  }
0x29: {  	[tilespmem:s10], [sflag:$0x1] =	stream.indirect_vreg.gather [hbm4b:s3+s2], $0x80, v4, vm0, $0xb8;
	[tilespmem:$0x10000] =	vst v63  }
0x2a: {  	s1 =	simm.s32 $0x1800  }
0x2b: {  	[tilespmem:s1], [sflag:$0x1] =	stream.indirect_vreg.gather [hbm4b:s5+s2], $0x80, v4, vm1, $0xb8;
	[tilespmem:$0x10000] =	vst v63  }
0x2c: {  	s1 =	simm.s32 $0x1C00  }
0x2d: {  	[tilespmem:s1], [sflag:$0x1] =	stream.indirect_vreg.gather [hbm4b:s3+s2], $0x80, v3, vm0, $0xb8;
	[tilespmem:$0x10000] =	vst v63  }
0x2e: {  	s1 =	simm.s32 $0x2400  }
0x2f: {  	[tilespmem:s1], [sflag:$0x1] =	stream.indirect_vreg.gather [hbm4b:s5+s2], $0x80, v3, vm1, $0xb8;
	[tilespmem:$0x10000] =	vst v63  }
0x30: {  	v3 =	vld [tilespmem:$0x10];
	_ =	sdelay $0x4  }
0x31: {  	v60 =	vshrl.u32 v3, $0x3  }
0x32: {  	v4 =	vmul.u32 $0x18, v60  }
0x33: {  	v3 =	vand.u32 $0x7, v3  }
0x34: {  	v3 =	vor.u32 v3, v4  }
0x35: {  	v4 =	vperm.xlane v3, v0;
	_ =	sdelay $0x1  }
0x36: {  	v4 =	vadd.s32 v1, v4;
	_ =	sdelay $0x1  }
0x37: {  	v3 =	vperm.xlane v3, v2;
	_ =	sdelay $0x1  }
0x38: {  	s1 =	simm.s32 $0x2800;
	v3 =	vadd.s32 v1, v3  }
0x39: {  	[tilespmem:s1], [sflag:$0x1] =	stream.indirect_vreg.gather [hbm4b:s3+s2], $0x80, v4, vm0, $0xb8;
	[tilespmem:$0x10000] =	vst v63  }
0x3a: {  	s1 =	simm.s32 $0x3000  }
0x3b: {  	[tilespmem:s1], [sflag:$0x1] =	stream.indirect_vreg.gather [hbm4b:s5+s2], $0x80, v4, vm1, $0xb8;
	[tilespmem:$0x10000] =	vst v63  }
0x3c: {  	s1 =	simm.s32 $0x3400  }
0x3d: {  	[tilespmem:s1], [sflag:$0x1] =	stream.indirect_vreg.gather [hbm4b:s3+s2], $0x80, v3, vm0, $0xb8;
	[tilespmem:$0x10000] =	vst v63  }
0x3e: {  	s1 =	simm.s32 $0x3C00  }
0x3f: {  	[tilespmem:s1], [sflag:$0x1] =	stream.indirect_vreg.gather [hbm4b:s5+s2], $0x80, v3, vm1, $0xb8;
	[tilespmem:$0x10000] =	vst v63  }
0x40: {  	v3 =	vld [tilespmem:$0x20];
	_ =	sdelay $0x4  }
0x41: {  	v61 =	vshrl.u32 v3, $0x3  }
0x42: {  	v4 =	vmul.u32 $0x18, v61  }
0x43: {  	v3 =	vand.u32 $0x7, v3  }
0x44: {  	v3 =	vor.u32 v3, v4  }
0x45: {  	v4 =	vperm.xlane v3, v0;
	_ =	sdelay $0x1  }
0x46: {  	v4 =	vadd.s32 v1, v4;
	_ =	sdelay $0x1  }
0x47: {  	v3 =	vperm.xlane v3, v2;
	_ =	sdelay $0x1  }
0x48: {  	s1 =	simm.s32 $0x4000;
	v3 =	vadd.s32 v1, v3  }
0x49: {  	[tilespmem:s1], [sflag:$0x1] =	stream.indirect_vreg.gather [hbm4b:s3+s2], $0x80, v4, vm0, $0xb8;
	[tilespmem:$0x10000] =	vst v63  }
0x4a: {  	s1 =	simm.s32 $0x4800  }
0x4b: {  	[tilespmem:s1], [sflag:$0x1] =	stream.indirect_vreg.gather [hbm4b:s5+s2], $0x80, v4, vm1, $0xb8;
	[tilespmem:$0x10000] =	vst v63  }
0x4c: {  	s1 =	simm.s32 $0x4C00  }
0x4d: {  	[tilespmem:s1], [sflag:$0x1] =	stream.indirect_vreg.gather [hbm4b:s3+s2], $0x80, v3, vm0, $0xb8;
	[tilespmem:$0x10000] =	vst v63  }
0x4e: {  	s1 =	simm.s32 $0x5400  }
0x4f: {  	[tilespmem:s1], [sflag:$0x1] =	stream.indirect_vreg.gather [hbm4b:s5+s2], $0x80, v3, vm1, $0xb8;
	[tilespmem:$0x10000] =	vst v63  }
0x50: {  	v3 =	vld [tilespmem:$0x30];
	_ =	sdelay $0x4  }
0x51: {  	v62 =	vshrl.u32 v3, $0x3  }
0x52: {  	v4 =	vmul.u32 $0x18, v62  }
0x53: {  	v3 =	vand.u32 $0x7, v3  }
0x54: {  	v3 =	vor.u32 v3, v4  }
0x55: {  	v4 =	vperm.xlane v3, v0;
	_ =	sdelay $0x1  }
0x56: {  	v4 =	vadd.s32 v1, v4;
	_ =	sdelay $0x1  }
0x57: {  	v3 =	vperm.xlane v3, v2;
	_ =	sdelay $0x1  }
0x58: {  	s1 =	simm.s32 $0x5800;
	v3 =	vadd.s32 v1, v3  }
0x59: {  	[tilespmem:s1], [sflag:$0x1] =	stream.indirect_vreg.gather [hbm4b:s3+s2], $0x80, v4, vm0, $0xb8;
	[tilespmem:$0x10000] =	vst v63  }
0x5a: {  	s1 =	simm.s32 $0x6000  }
0x5b: {  	[tilespmem:s1], [sflag:$0x1] =	stream.indirect_vreg.gather [hbm4b:s5+s2], $0x80, v4, vm1, $0xb8;
	[tilespmem:$0x10000] =	vst v63  }
0x5c: {  	s1 =	simm.s32 $0x6400  }
0x5d: {  	[tilespmem:s1], [sflag:$0x1] =	stream.indirect_vreg.gather [hbm4b:s3+s2], $0x80, v3, vm0, $0xb8;
	[tilespmem:$0x10000] =	vst v63  }
0x5e: {  	s1 =	simm.s32 $0x6C00  }
0x5f: {  	[tilespmem:s1], [sflag:$0x1] =	stream.indirect_vreg.gather [hbm4b:s5+s2], $0x80, v3, vm1, $0xb8;
	[tilespmem:$0x10000] =	vst v63  }
0x60: {  	v3 =	vld [tilespmem:$0x40];
	_ =	sdelay $0x4  }
0x61: {  	v63 =	vshrl.u32 v3, $0x3  }
0x62: {  	v4 =	vmul.u32 $0x18, v63  }
0x63: {  	v3 =	vand.u32 $0x7, v3  }
0x64: {  	v3 =	vor.u32 v3, v4  }
0x65: {  	v4 =	vperm.xlane v3, v0;
	_ =	sdelay $0x1  }
0x66: {  	v4 =	vadd.s32 v1, v4;
	_ =	sdelay $0x2  }
0x67: {  	v3 =	vperm.xlane v3, v2  }
0x68: {  	s1 =	simm.s32 $0x7000  }
0x69: {  	v3 =	vadd.s32 v1, v3;
	[tilespmem:s1], [sflag:$0x1] =	stream.indirect_vreg.gather [hbm4b:s3+s2], $0x80, v4, vm0, $0xb8;
	[tilespmem:$0x10000] =	vst v63  }
0x6a: {  	s1 =	simm.s32 $0x7800  }
0x6b: {  	[tilespmem:s1], [sflag:$0x1] =	stream.indirect_vreg.gather [hbm4b:s5+s2], $0x80, v4, vm1, $0xb8;
	[tilespmem:$0x10000] =	vst v63  }
.Ltmp2:
0x6c: {  	_ = 	snop;
	(pc) =	sbr.rel .LBB2_2-.Ltmp2, $4  }
0x6d: {  	s1 =	simm.s32 $0x7C00  }
0x6e: {  	[tilespmem:s1], [sflag:$0x1] =	stream.indirect_vreg.gather [hbm4b:s3+s2], $0x80, v3, vm0, $0xb8;
	[tilespmem:$0x10000] =	vst v63  }
0x6f: {  	s29 =	simm.s32 $0x70;
	s30 =	simm.s32 $0x0;
	s1 =	simm.s32 $0x8400  }
0x70: {  	[tilespmem:s1], [sflag:$0x1] =	stream.indirect_vreg.gather [hbm4b:s5+s2], $0x80, v3, vm1, $0xb8;
	[tilespmem:$0x10000] =	vst v63  }
.LBB2_4:
0x71: {  	_ =	swait.ge [sflag:s28], $0x7800;
	s1 =	sadd.s32 s30, s7;
	s30 =	sadd.s32 $0x1E00, s30  }
0x72: {  	[sflag:s28] =	ssyncset.done $0x0;
	p0 =	sne.s32 s30, $0x2EE00  }
.Ltmp3:
0x73: {  	[sflag:s28] =	ssyncadd.s32 $0xFFFF8800;
	(pc) =	sbr.rel @!p0 .LBB2_5-.Ltmp3, $4  }
0x74: {  	[hbm4b:s1+s2] =	stream.linear.scatter [tilespmem:s31], [sflag:$0x3], $0x7800, $0x38;
	[tilespmem:$0x10000] =	vst v63  }
0x75: {  	_ =	swait.ge [sflag:s9], $0x7800  }
0x76: {  	[sflag:s9] =	ssyncset.done $0x0  }
0x77: {  	s29 =	sadd.s32 $0xA0, s29;
	[sflag:s9] =	ssyncadd.s32 $0xFFFF8800  }
.LBB2_2:
0x78: {  	v3 =	vld [tilespmem:s29+$0xFFFFFFE0];
	_ =	sdelay $0x4  }
0x79: {  	v4 =	vshrl.u32 v3, $0x3  }
0x7a: {  	v4 =	vmul.u32 $0x18, v4  }
0x7b: {  	v3 =	vand.u32 $0x7, v3  }
0x7c: {  	v3 =	vor.u32 v3, v4  }
0x7d: {  	v4 =	vperm.xlane v3, v0;
	_ =	sdelay $0x1  }
0x7e: {  	v4 =	vadd.s32 v1, v4;
	_ =	sdelay $0x1  }
0x7f: {  	v3 =	vperm.xlane v3, v2;
	_ =	sdelay $0x1  }
0x80: {  	v3 =	vadd.s32 v1, v3  }
0x81: {  	[tilespmem:s31], [sflag:$0x2] =	stream.indirect_vreg.gather [hbm4b:s3+s2], $0x80, v4, vm0, $0xb8;
	[tilespmem:$0x10000] =	vst v63  }
0x82: {  	s1 =	simm.s32 $0x9000  }
0x83: {  	[tilespmem:s1], [sflag:$0x2] =	stream.indirect_vreg.gather [hbm4b:s5+s2], $0x80, v4, vm1, $0xb8;
	[tilespmem:$0x10000] =	vst v63  }
0x84: {  	_ = 	snop  }
0x85: {  	[tilespmem:s0], [sflag:$0x2] =	stream.indirect_vreg.gather [hbm4b:s3+s2], $0x80, v3, vm0, $0xb8;
	[tilespmem:$0x10000] =	vst v63  }
0x86: {  	_ = 	snop  }
0x87: {  	[tilespmem:s4], [sflag:$0x2] =	stream.indirect_vreg.gather [hbm4b:s5+s2], $0x80, v3, vm1, $0xb8;
	[tilespmem:$0x10000] =	vst v63  }
0x88: {  	v3 =	vld [tilespmem:s29+$0xFFFFFFF0];
	_ =	sdelay $0x4  }
0x89: {  	v60 =	vshrl.u32 v3, $0x3  }
0x8a: {  	v4 =	vmul.u32 $0x18, v60  }
0x8b: {  	v3 =	vand.u32 $0x7, v3  }
0x8c: {  	v3 =	vor.u32 v3, v4  }
0x8d: {  	v4 =	vperm.xlane v3, v0;
	_ =	sdelay $0x1  }
0x8e: {  	v4 =	vadd.s32 v1, v4;
	_ =	sdelay $0x1  }
0x8f: {  	v3 =	vperm.xlane v3, v2;
	_ =	sdelay $0x1  }
0x90: {  	v3 =	vadd.s32 v1, v3  }
0x91: {  	[tilespmem:s6], [sflag:$0x2] =	stream.indirect_vreg.gather [hbm4b:s3+s2], $0x80, v4, vm0, $0xb8;
	[tilespmem:$0x10000] =	vst v63  }
0x92: {  	_ = 	snop  }
0x93: {  	[tilespmem:s11], [sflag:$0x2] =	stream.indirect_vreg.gather [hbm4b:s5+s2], $0x80, v4, vm1, $0xb8;
	[tilespmem:$0x10000] =	vst v63  }
0x94: {  	_ = 	snop  }
0x95: {  	[tilespmem:s12], [sflag:$0x2] =	stream.indirect_vreg.gather [hbm4b:s3+s2], $0x80, v3, vm0, $0xb8;
	[tilespmem:$0x10000] =	vst v63  }
0x96: {  	_ = 	snop  }
0x97: {  	[tilespmem:s13], [sflag:$0x2] =	stream.indirect_vreg.gather [hbm4b:s5+s2], $0x80, v3, vm1, $0xb8;
	[tilespmem:$0x10000] =	vst v63  }
0x98: {  	v3 =	vld [tilespmem:s29+$0x0];
	_ =	sdelay $0x4  }
0x99: {  	v61 =	vshrl.u32 v3, $0x3  }
0x9a: {  	v4 =	vmul.u32 $0x18, v61  }
0x9b: {  	v3 =	vand.u32 $0x7, v3  }
0x9c: {  	v3 =	vor.u32 v3, v4  }
0x9d: {  	v4 =	vperm.xlane v3, v0;
	_ =	sdelay $0x1  }
0x9e: {  	v4 =	vadd.s32 v1, v4;
	_ =	sdelay $0x1  }
0x9f: {  	v3 =	vperm.xlane v3, v2;
	_ =	sdelay $0x1  }
0xa0: {  	v3 =	vadd.s32 v1, v3  }
0xa1: {  	[tilespmem:s14], [sflag:$0x2] =	stream.indirect_vreg.gather [hbm4b:s3+s2], $0x80, v4, vm0, $0xb8;
	[tilespmem:$0x10000] =	vst v63  }
0xa2: {  	_ = 	snop  }
0xa3: {  	[tilespmem:s15], [sflag:$0x2] =	stream.indirect_vreg.gather [hbm4b:s5+s2], $0x80, v4, vm1, $0xb8;
	[tilespmem:$0x10000] =	vst v63  }
0xa4: {  	_ = 	snop  }
0xa5: {  	[tilespmem:s16], [sflag:$0x2] =	stream.indirect_vreg.gather [hbm4b:s3+s2], $0x80, v3, vm0, $0xb8;
	[tilespmem:$0x10000] =	vst v63  }
0xa6: {  	_ = 	snop  }
0xa7: {  	[tilespmem:s17], [sflag:$0x2] =	stream.indirect_vreg.gather [hbm4b:s5+s2], $0x80, v3, vm1, $0xb8;
	[tilespmem:$0x10000] =	vst v63  }
0xa8: {  	v3 =	vld [tilespmem:s29+$0x10];
	_ =	sdelay $0x4  }
0xa9: {  	v62 =	vshrl.u32 v3, $0x3  }
0xaa: {  	v4 =	vmul.u32 $0x18, v62  }
0xab: {  	v3 =	vand.u32 $0x7, v3  }
0xac: {  	v3 =	vor.u32 v3, v4  }
0xad: {  	v4 =	vperm.xlane v3, v0;
	_ =	sdelay $0x1  }
0xae: {  	v4 =	vadd.s32 v1, v4;
	_ =	sdelay $0x1  }
0xaf: {  	v3 =	vperm.xlane v3, v2;
	_ =	sdelay $0x1  }
0xb0: {  	v3 =	vadd.s32 v1, v3  }
0xb1: {  	[tilespmem:s18], [sflag:$0x2] =	stream.indirect_vreg.gather [hbm4b:s3+s2], $0x80, v4, vm0, $0xb8;
	[tilespmem:$0x10000] =	vst v63  }
0xb2: {  	_ = 	snop  }
0xb3: {  	[tilespmem:s19], [sflag:$0x2] =	stream.indirect_vreg.gather [hbm4b:s5+s2], $0x80, v4, vm1, $0xb8;
	[tilespmem:$0x10000] =	vst v63  }
0xb4: {  	_ = 	snop  }
0xb5: {  	[tilespmem:s20], [sflag:$0x2] =	stream.indirect_vreg.gather [hbm4b:s3+s2], $0x80, v3, vm0, $0xb8;
	[tilespmem:$0x10000] =	vst v63  }
0xb6: {  	_ = 	snop  }
0xb7: {  	[tilespmem:s21], [sflag:$0x2] =	stream.indirect_vreg.gather [hbm4b:s5+s2], $0x80, v3, vm1, $0xb8;
	[tilespmem:$0x10000] =	vst v63  }
0xb8: {  	v3 =	vld [tilespmem:s29+$0x20];
	_ =	sdelay $0x4  }
0xb9: {  	v63 =	vshrl.u32 v3, $0x3  }
0xba: {  	v4 =	vmul.u32 $0x18, v63  }
0xbb: {  	v3 =	vand.u32 $0x7, v3  }
0xbc: {  	v3 =	vor.u32 v3, v4  }
0xbd: {  	v4 =	vperm.xlane v3, v0;
	_ =	sdelay $0x1  }
0xbe: {  	v4 =	vadd.s32 v1, v4;
	_ =	sdelay $0x1  }
0xbf: {  	v3 =	vperm.xlane v3, v2;
	_ =	sdelay $0x1  }
0xc0: {  	v3 =	vadd.s32 v1, v3  }
0xc1: {  	[tilespmem:s22], [sflag:$0x2] =	stream.indirect_vreg.gather [hbm4b:s3+s2], $0x80, v4, vm0, $0xb8;
	[tilespmem:$0x10000] =	vst v63  }
0xc2: {  	_ = 	snop  }
0xc3: {  	[tilespmem:s23], [sflag:$0x2] =	stream.indirect_vreg.gather [hbm4b:s5+s2], $0x80, v4, vm1, $0xb8;
	[tilespmem:$0x10000] =	vst v63  }
0xc4: {  	_ = 	snop  }
0xc5: {  	[tilespmem:s24], [sflag:$0x2] =	stream.indirect_vreg.gather [hbm4b:s3+s2], $0x80, v3, vm0, $0xb8;
	[tilespmem:$0x10000] =	vst v63  }
0xc6: {  	_ = 	snop  }
0xc7: {  	[tilespmem:s25], [sflag:$0x2] =	stream.indirect_vreg.gather [hbm4b:s5+s2], $0x80, v3, vm1, $0xb8;
	[tilespmem:$0x10000] =	vst v63  }
0xc8: {  	_ =	swait.ge [sflag:s26], $0x7800  }
0xc9: {  	p0 =	seq.s32 s30, $0x2D000;
	[sflag:s26] =	ssyncset.done $0x0  }
.Ltmp4:
0xca: {  	s1 =	sadd.s32 s30, s8;
	[sflag:s26] =	ssyncadd.s32 $0xFFFF8800;
	(pc) =	sbr.rel @p0 .LBB2_4-.Ltmp4, $4  }
0xcb: {  	[hbm4b:s1+s2] =	stream.linear.scatter [tilespmem:s10], [sflag:$0x3], $0x7800, $0x38;
	[tilespmem:$0x10000] =	vst v63  }
0xcc: {  	_ =	swait.ge [sflag:s9], $0x7800  }
0xcd: {  	[sflag:s9] =	ssyncset.done $0x0  }
0xce: {  	[sflag:s9] =	ssyncadd.s32 $0xFFFF8800  }
0xcf: {  	v3 =	vld [tilespmem:s29+$0x30];
	_ =	sdelay $0x4  }
0xd0: {  	v4 =	vshrl.u32 v3, $0x3  }
0xd1: {  	v4 =	vmul.u32 $0x18, v4  }
0xd2: {  	v3 =	vand.u32 $0x7, v3  }
0xd3: {  	v3 =	vor.u32 v3, v4  }
0xd4: {  	v4 =	vperm.xlane v3, v0;
	_ =	sdelay $0x1  }
0xd5: {  	v4 =	vadd.s32 v1, v4;
	_ =	sdelay $0x1  }
0xd6: {  	v3 =	vperm.xlane v3, v2;
	_ =	sdelay $0x1  }
0xd7: {  	v3 =	vadd.s32 v1, v3  }
0xd8: {  	[tilespmem:s10], [sflag:$0x1] =	stream.indirect_vreg.gather [hbm4b:s3+s2], $0x80, v4, vm0, $0xb8;
	[tilespmem:$0x10000] =	vst v63  }
0xd9: {  	s1 =	simm.s32 $0x1800  }
0xda: {  	[tilespmem:s1], [sflag:$0x1] =	stream.indirect_vreg.gather [hbm4b:s5+s2], $0x80, v4, vm1, $0xb8;
	[tilespmem:$0x10000] =	vst v63  }
0xdb: {  	s1 =	simm.s32 $0x1C00  }
0xdc: {  	[tilespmem:s1], [sflag:$0x1] =	stream.indirect_vreg.gather [hbm4b:s3+s2], $0x80, v3, vm0, $0xb8;
	[tilespmem:$0x10000] =	vst v63  }
0xdd: {  	s1 =	simm.s32 $0x2400  }
0xde: {  	[tilespmem:s1], [sflag:$0x1] =	stream.indirect_vreg.gather [hbm4b:s5+s2], $0x80, v3, vm1, $0xb8;
	[tilespmem:$0x10000] =	vst v63  }
0xdf: {  	v3 =	vld [tilespmem:s29+$0x40];
	_ =	sdelay $0x4  }
0xe0: {  	v60 =	vshrl.u32 v3, $0x3  }
0xe1: {  	v4 =	vmul.u32 $0x18, v60  }
0xe2: {  	v3 =	vand.u32 $0x7, v3  }
0xe3: {  	v3 =	vor.u32 v3, v4  }
0xe4: {  	v4 =	vperm.xlane v3, v0;
	_ =	sdelay $0x1  }
0xe5: {  	v4 =	vadd.s32 v1, v4;
	_ =	sdelay $0x1  }
0xe6: {  	v3 =	vperm.xlane v3, v2;
	_ =	sdelay $0x1  }
0xe7: {  	s1 =	simm.s32 $0x2800;
	v3 =	vadd.s32 v1, v3  }
0xe8: {  	[tilespmem:s1], [sflag:$0x1] =	stream.indirect_vreg.gather [hbm4b:s3+s2], $0x80, v4, vm0, $0xb8;
	[tilespmem:$0x10000] =	vst v63  }
0xe9: {  	s1 =	simm.s32 $0x3000  }
0xea: {  	[tilespmem:s1], [sflag:$0x1] =	stream.indirect_vreg.gather [hbm4b:s5+s2], $0x80, v4, vm1, $0xb8;
	[tilespmem:$0x10000] =	vst v63  }
0xeb: {  	s1 =	simm.s32 $0x3400  }
0xec: {  	[tilespmem:s1], [sflag:$0x1] =	stream.indirect_vreg.gather [hbm4b:s3+s2], $0x80, v3, vm0, $0xb8;
	[tilespmem:$0x10000] =	vst v63  }
0xed: {  	s1 =	simm.s32 $0x3C00  }
0xee: {  	[tilespmem:s1], [sflag:$0x1] =	stream.indirect_vreg.gather [hbm4b:s5+s2], $0x80, v3, vm1, $0xb8;
	[tilespmem:$0x10000] =	vst v63  }
0xef: {  	v3 =	vld [tilespmem:s29+$0x50];
	_ =	sdelay $0x4  }
0xf0: {  	v61 =	vshrl.u32 v3, $0x3  }
0xf1: {  	v4 =	vmul.u32 $0x18, v61  }
0xf2: {  	v3 =	vand.u32 $0x7, v3  }
0xf3: {  	v3 =	vor.u32 v3, v4  }
0xf4: {  	v4 =	vperm.xlane v3, v0;
	_ =	sdelay $0x1  }
0xf5: {  	v4 =	vadd.s32 v1, v4;
	_ =	sdelay $0x1  }
0xf6: {  	v3 =	vperm.xlane v3, v2;
	_ =	sdelay $0x1  }
0xf7: {  	s1 =	simm.s32 $0x4000;
	v3 =	vadd.s32 v1, v3  }
0xf8: {  	[tilespmem:s1], [sflag:$0x1] =	stream.indirect_vreg.gather [hbm4b:s3+s2], $0x80, v4, vm0, $0xb8;
	[tilespmem:$0x10000] =	vst v63  }
0xf9: {  	s1 =	simm.s32 $0x4800  }
0xfa: {  	[tilespmem:s1], [sflag:$0x1] =	stream.indirect_vreg.gather [hbm4b:s5+s2], $0x80, v4, vm1, $0xb8;
	[tilespmem:$0x10000] =	vst v63  }
0xfb: {  	s1 =	simm.s32 $0x4C00  }
0xfc: {  	[tilespmem:s1], [sflag:$0x1] =	stream.indirect_vreg.gather [hbm4b:s3+s2], $0x80, v3, vm0, $0xb8;
	[tilespmem:$0x10000] =	vst v63  }
0xfd: {  	s1 =	simm.s32 $0x5400  }
0xfe: {  	[tilespmem:s1], [sflag:$0x1] =	stream.indirect_vreg.gather [hbm4b:s5+s2], $0x80, v3, vm1, $0xb8;
	[tilespmem:$0x10000] =	vst v63  }
0xff: {  	v3 =	vld [tilespmem:s29+$0x60];
	_ =	sdelay $0x4  }
0x100: {  	v62 =	vshrl.u32 v3, $0x3  }
0x101: {  	v4 =	vmul.u32 $0x18, v62  }
0x102: {  	v3 =	vand.u32 $0x7, v3  }
0x103: {  	v3 =	vor.u32 v3, v4  }
0x104: {  	v4 =	vperm.xlane v3, v0;
	_ =	sdelay $0x1  }
0x105: {  	v4 =	vadd.s32 v1, v4;
	_ =	sdelay $0x1  }
0x106: {  	v3 =	vperm.xlane v3, v2;
	_ =	sdelay $0x1  }
0x107: {  	s1 =	simm.s32 $0x5800;
	v3 =	vadd.s32 v1, v3  }
0x108: {  	[tilespmem:s1], [sflag:$0x1] =	stream.indirect_vreg.gather [hbm4b:s3+s2], $0x80, v4, vm0, $0xb8;
	[tilespmem:$0x10000] =	vst v63  }
0x109: {  	s1 =	simm.s32 $0x6000  }
0x10a: {  	[tilespmem:s1], [sflag:$0x1] =	stream.indirect_vreg.gather [hbm4b:s5+s2], $0x80, v4, vm1, $0xb8;
	[tilespmem:$0x10000] =	vst v63  }
0x10b: {  	s1 =	simm.s32 $0x6400  }
0x10c: {  	[tilespmem:s1], [sflag:$0x1] =	stream.indirect_vreg.gather [hbm4b:s3+s2], $0x80, v3, vm0, $0xb8;
	[tilespmem:$0x10000] =	vst v63  }
0x10d: {  	s1 =	simm.s32 $0x6C00  }
0x10e: {  	[tilespmem:s1], [sflag:$0x1] =	stream.indirect_vreg.gather [hbm4b:s5+s2], $0x80, v3, vm1, $0xb8;
	[tilespmem:$0x10000] =	vst v63  }
0x10f: {  	v3 =	vld [tilespmem:s29+$0x70];
	_ =	sdelay $0x4  }
0x110: {  	v63 =	vshrl.u32 v3, $0x3  }
0x111: {  	v4 =	vmul.u32 $0x18, v63  }
0x112: {  	v3 =	vand.u32 $0x7, v3  }
0x113: {  	v3 =	vor.u32 v3, v4  }
0x114: {  	v4 =	vperm.xlane v3, v0;
	_ =	sdelay $0x1  }
0x115: {  	v4 =	vadd.s32 v1, v4;
	_ =	sdelay $0x2  }
0x116: {  	v3 =	vperm.xlane v3, v2  }
0x117: {  	s1 =	simm.s32 $0x7000  }
0x118: {  	v3 =	vadd.s32 v1, v3;
	[tilespmem:s1], [sflag:$0x1] =	stream.indirect_vreg.gather [hbm4b:s3+s2], $0x80, v4, vm0, $0xb8;
	[tilespmem:$0x10000] =	vst v63  }
0x119: {  	s1 =	simm.s32 $0x7800  }
0x11a: {  	[tilespmem:s1], [sflag:$0x1] =	stream.indirect_vreg.gather [hbm4b:s5+s2], $0x80, v4, vm1, $0xb8;
	[tilespmem:$0x10000] =	vst v63  }
.Ltmp5:
0x11b: {  	_ = 	snop;
	(pc) =	sbr.rel .LBB2_4-.Ltmp5, $4  }
0x11c: {  	s1 =	simm.s32 $0x7C00  }
0x11d: {  	[tilespmem:s1], [sflag:$0x1] =	stream.indirect_vreg.gather [hbm4b:s3+s2], $0x80, v3, vm0, $0xb8;
	[tilespmem:$0x10000] =	vst v63  }
0x11e: {  	s1 =	simm.s32 $0x8400  }
0x11f: {  	[tilespmem:s1], [sflag:$0x1] =	stream.indirect_vreg.gather [hbm4b:s5+s2], $0x80, v3, vm1, $0xb8;
	[tilespmem:$0x10000] =	vst v63  }
.LBB2_6:
0x120: {  	_ =	sfence.sel $0x180000  }
0x121: {  	[bflag:$0x0] =	sbarrier.arrive $0xFFFF  }
0x122: {  	_ =	strace $0x90000047  }
0x123: {  	s0 =	stileid.u32;
	[bflag:$0x2] =	sbarrier.arrive $0xFFFF  }
0x124: {  	p0 =	sne.s32 s0, $0x0;
	s0 =	rddreg [dreg:$0x1]  }
0x125: {  	s0 =	sadd.s32 @!p0 $0x100000, s0  }
0x126: {  	[sflag:s0] =	ssyncadd.tile.s32 @!p0 $0x1;
	_ =	shalt  }
.Lfunc_end2:
_tile_overlayer_lowered:
.L_overlay_start_2:
0x127: {  	(tag) =	ssettag $0x2  }
0x128: {  	s0 =	rddreg [dreg:$0x0];
	s2 =	stileid.u32  }
0x129: {  	s1 =	rddreg [dreg:$0x1];
	p0 =	sne.s32 s2, $0x0  }
0x12a: {  	s3 =	rddreg [dreg:$0x2];
	[bflag:$0x3] =	sbarrier.arrive $0xFFFF;
	s2 =	simm.s32 @!p0 $0x1C03  }
0x12b: {  	[timem:s3], [sflag:s2] =	dma.local @!p0 [hbm:s0], s1  }
0x12c: {  	s0 =	simm.s32 @!p0 $0x3  }
0x12d: {  	_ =	swait.ge @!p0 [sflag:s0], s1  }
0x12e: {  	s1 =	ssub.s32 @!p0 $0x0, s1;
	[sflag:s0] =	ssyncset.done @!p0 $0x0  }
0x12f: {  	[sflag:s0] =	ssyncadd.s32 @!p0 s1  }
0x130: {  	[bflag:$0x3] =	sbarrier.arrive $0xFFFF  }
0x131: {  	_ =	shalt  }

</sc_bundles>
